<compile_context>
chip_gen: v7x
topology: tpu7x:2x2x1
jax: 0.10.2.dev20260603
libtpu: 0.0.44.dev20260713+nightly
codegen_flags: <defaults>
</compile_context>

<pallas_src>
import jax
import jax.numpy as jnp
from jax import lax
from jax.experimental import pallas as pl
from jax.experimental.pallas import tpu as pltpu
from jax.experimental.pallas import tpu_sc as plsc

VOCAB = 1000000
EMBED = 64
B = 4096
L = 200

NUM_IDX = B * L
NC, NS = 2, 16
NW = NC * NS
PER_W = NUM_IDX // NW
WIN = 128
NWIN = PER_W // WIN
NBUF = 2
LANES = 2 * EMBED
VREG = 16

assert NWIN % NBUF == 0


def _sc_gather(table128, idx):
    mesh = plsc.VectorSubcoreMesh(core_axis_name="c", subcore_axis_name="s")

    scratch = [pltpu.VMEM((PER_W,), jnp.int32)]
    scratch += [pltpu.VMEM((WIN, LANES), jnp.float32) for _ in range(NBUF)]
    scratch += [pltpu.VMEM((WIN, EMBED), jnp.float32) for _ in range(NBUF)]
    scratch += [pltpu.SemaphoreType.DMA for _ in range(NBUF)]

    @pl.kernel(
        out_type=jax.ShapeDtypeStruct((NUM_IDX, EMBED), jnp.float32),
        mesh=mesh,
        scratch_types=scratch,
    )
    def k(table_hbm, idx_hbm, out_hbm, idx_v, *rest):
        wbuf = rest[:NBUF]
        obuf = rest[NBUF:2 * NBUF]
        gsem = rest[2 * NBUF:3 * NBUF]

        wid = lax.axis_index("s") * NC + lax.axis_index("c")
        base = wid * PER_W
        pltpu.sync_copy(idx_hbm.at[pl.ds(base, PER_W)], idx_v)

        def gfire(j, w):
            pltpu.async_copy(
                table_hbm.at[idx_v.at[pl.ds(w * WIN, WIN)]], wbuf[j], gsem[j]
            )

        def gwait(j, w):
            pltpu.make_async_copy(
                table_hbm.at[idx_v.at[pl.ds(w * WIN, WIN)]], wbuf[j], gsem[j]
            ).wait()

        def store(j, w):
            pltpu.sync_copy(obuf[j], out_hbm.at[pl.ds(base + w * WIN, WIN)])

        def compact(j):
            @pl.loop(0, WIN)
            def _(r):
                for c in range(0, EMBED, VREG):
                    obuf[j][r, pl.ds(c, VREG)] = wbuf[j][r, pl.ds(c, VREG)]

        for j in range(NBUF):
            gfire(j, j)
        for j in range(NBUF):
            gwait(j, j)
            compact(j)
            store(j, j)
            gfire(j, NBUF + j)

        @pl.loop(NBUF, NWIN - NBUF, step=NBUF)
        def _(g):
            for j in range(NBUF):
                w = g + j
                gwait(j, w)
                compact(j)
                store(j, w)
                gfire(j, w + NBUF)

        for j in range(NBUF):
            w = NWIN - NBUF + j
            gwait(j, w)
            compact(j)
            store(j, w)

    return k(table128, idx)


def kernel(cat_seq, embed_cat):
    idx = cat_seq.reshape(NUM_IDX).astype(jnp.int32)
    table128 = jnp.pad(embed_cat, ((0, 0), (0, LANES - EMBED)))
    out = _sc_gather(table128, idx)
    return out.reshape(B, L, EMBED)

# --- scband reference (transcript-rebuilt; emitter-appended) ---
"""Pipeline reference for scband-preference-sequencial-72103910965801 (READ-ONLY COPY).

The authoritative reference and input builder live on the scoring server;
editing this copy changes nothing except your own understanding.
"""

import jax, jax.numpy as jnp
import numpy as np

VOCAB = 1000000
EMBED = 64
B = 4096
L = 200

def setup_inputs(seed: int = 0) -> dict:
    key = jax.random.key(seed)
    k1, k2 = jax.random.split(key)
    cat_seq = jax.random.randint(k1, (B, L), 0, VOCAB, dtype=jnp.int64 if jax.config.jax_enable_x64 else jnp.int32)
    embed_cat = jax.random.normal(k2, (VOCAB, EMBED), dtype=jnp.float32) * 0.02
    return {"cat_seq": cat_seq, "embed_cat": embed_cat}

def reference(cat_seq, embed_cat):
    # nn.Embedding lookup: out[b, l, :] = embed_cat[cat_seq[b, l], :]
    out = jnp.take(embed_cat, cat_seq, axis=0)
    return out

if __name__ == "__main__":
    import jax
    _d = setup_inputs()
    print(jax.jit(kernel)(*tuple(_d.values())))

</pallas_src>

<mosaic_0001>
#map = affine_map<(d0, d1) -> (0, 0)>
#map1 = affine_map<(d0, d1) -> (0)>
module attributes {stable_mosaic.version = 14 : i64} {
  func.func @k(%arg0: i32, %arg1: i32, %arg2: memref<1000000x128xf32, #tpu.memory_space<hbm>>, %arg3: memref<819200xi32, #tpu.memory_space<hbm>>, %arg4: memref<819200x64xf32, #tpu.memory_space<hbm>>, %arg5: memref<25600xi32, #tpu.memory_space<vmem>>, %arg6: memref<128x128xf32, #tpu.memory_space<vmem>>, %arg7: memref<128x128xf32, #tpu.memory_space<vmem>>, %arg8: memref<128x64xf32, #tpu.memory_space<vmem>>, %arg9: memref<128x64xf32, #tpu.memory_space<vmem>>, %arg10: memref<!tpu.dma_semaphore, #tpu.memory_space<semaphore_mem>>, %arg11: memref<!tpu.dma_semaphore, #tpu.memory_space<semaphore_mem>>) attributes {dimension_semantics = [#tpu.dimension_semantics<core_parallel>, #tpu.dimension_semantics<subcore_parallel>], iteration_bounds = array<i64: 2, 16>, scalar_prefetch = 0 : i64, scratch_operands = 7 : i64, tpu.core_type = #tpu.core_type<sc_vector_subcore>, window_params = [{transform_indices = #map}, {transform_indices = #map1}, {transform_indices = #map}]} {
    %mul3A = arith.constant 2 : i32
    %mul3A_0 = arith.muli %arg1, %mul3A : i32
    %add3A = arith.addi %mul3A_0, %arg0 : i32
    %mul3A_1 = arith.constant 25600 : i32
    %mul3A_2 = arith.muli %add3A, %mul3A_1 : i32
    "tpu.region"() ({
      %run_scoped3A = tpu.sem_alloc : memref<!tpu.dma_semaphore, #tpu.memory_space<semaphore_mem>>
      %dma_start3A_73 = tpu.memref_slice %arg3[%mul3A_2] : memref<819200xi32, #tpu.memory_space<hbm>> -> memref<25600xi32, #tpu.memory_space<hbm>>
      %dma_start3A_74 = tpu.memref_slice %arg3[%mul3A_2] : memref<819200xi32, #tpu.memory_space<hbm>> -> memref<25600xi32, #tpu.memory_space<hbm>>
      tpu.enqueue_dma source(%dma_start3A_74 : memref<25600xi32, #tpu.memory_space<hbm>>) target(%arg5 : memref<25600xi32, #tpu.memory_space<vmem>>) target_semaphore(%run_scoped3A : memref<!tpu.dma_semaphore, #tpu.memory_space<semaphore_mem>>)
      %dma_wait3A_75 = tpu.memref_slice %arg3[%mul3A_2] : memref<819200xi32, #tpu.memory_space<hbm>> -> memref<25600xi32, #tpu.memory_space<hbm>>
      %dma_wait3A_76 = tpu.memref_slice %arg3[%mul3A_2] : memref<819200xi32, #tpu.memory_space<hbm>> -> memref<25600xi32, #tpu.memory_space<hbm>>
      tpu.wait_dma2 semaphore(%run_scoped3A : memref<!tpu.dma_semaphore, #tpu.memory_space<semaphore_mem>>) src(%dma_wait3A_76 : memref<25600xi32, #tpu.memory_space<hbm>>) dst(%arg5 : memref<25600xi32, #tpu.memory_space<vmem>>)
      tpu.yield
    }) : () -> ()
    %dma_start3A = arith.constant 0 : i32
    %dma_start3A_3 = tpu.memref_slice %arg5[%dma_start3A] : memref<25600xi32, #tpu.memory_space<vmem>> -> memref<128xi32, #tpu.memory_space<vmem>>
    %dma_start3A_4 = arith.constant 0 : i32
    %dma_start3A_5 = arith.constant 0 : i32
    %dma_start3A_6 = tpu.memref_slice %arg2[%dma_start3A_4, %dma_start3A_5] : memref<1000000x128xf32, #tpu.memory_space<hbm>> -> memref<1000000x128xf32, #tpu.memory_space<hbm>>
    tpu.enqueue_indirect_dma source(%dma_start3A_6 : memref<1000000x128xf32, #tpu.memory_space<hbm>>) target(%arg6 : memref<128x128xf32, #tpu.memory_space<vmem>>) offsets(%dma_start3A_3 : memref<128xi32, #tpu.memory_space<vmem>>) semaphore(%arg10 : memref<!tpu.dma_semaphore, #tpu.memory_space<semaphore_mem>>)
    %dma_start3A_7 = arith.constant 128 : i32
    %dma_start3A_8 = tpu.memref_slice %arg5[%dma_start3A_7] : memref<25600xi32, #tpu.memory_space<vmem>> -> memref<128xi32, #tpu.memory_space<vmem>>
    %dma_start3A_9 = arith.constant 0 : i32
    %dma_start3A_10 = arith.constant 0 : i32
    %dma_start3A_11 = tpu.memref_slice %arg2[%dma_start3A_9, %dma_start3A_10] : memref<1000000x128xf32, #tpu.memory_space<hbm>> -> memref<1000000x128xf32, #tpu.memory_space<hbm>>
    tpu.enqueue_indirect_dma source(%dma_start3A_11 : memref<1000000x128xf32, #tpu.memory_space<hbm>>) target(%arg7 : memref<128x128xf32, #tpu.memory_space<vmem>>) offsets(%dma_start3A_8 : memref<128xi32, #tpu.memory_space<vmem>>) semaphore(%arg11 : memref<!tpu.dma_semaphore, #tpu.memory_space<semaphore_mem>>)
    %dma_wait3A = arith.constant 0 : i32
    %dma_wait3A_12 = tpu.memref_slice %arg5[%dma_wait3A] : memref<25600xi32, #tpu.memory_space<vmem>> -> memref<128xi32, #tpu.memory_space<vmem>>
    %dma_wait3A_13 = arith.constant 0 : i32
    %dma_wait3A_14 = arith.constant 0 : i32
    %dma_wait3A_15 = tpu.memref_slice %arg2[%dma_wait3A_13, %dma_wait3A_14] : memref<1000000x128xf32, #tpu.memory_space<hbm>> -> memref<1000000x128xf32, #tpu.memory_space<hbm>>
    tpu.wait_indirect_dma semaphore(%arg10 : memref<!tpu.dma_semaphore, #tpu.memory_space<semaphore_mem>>) src(%dma_wait3A_15 : memref<1000000x128xf32, #tpu.memory_space<hbm>>) dst(%arg6 : memref<128x128xf32, #tpu.memory_space<vmem>>)
    %scan3A = arith.constant 0 : i32
    %scan3A_16 = arith.constant 128 : i32
    %scan3A_17 = arith.addi %scan3A, %scan3A_16 : i32
    %scan3A_18 = arith.constant 1 : i32
    scf.for %scan3A_73 = %scan3A to %scan3A_17 step %scan3A_18  : i32 {
      %mul3A_74 = arith.constant 1 : i32
      %mul3A_75 = arith.muli %scan3A_73, %mul3A_74 : i32
      %add3A_76 = arith.constant 0 : i32
      %add3A_77 = arith.addi %add3A_76, %mul3A_75 : i32
      %get3A = arith.index_cast %add3A_77 : i32 to index
      %get3A_78 = arith.constant 0 : index
      %get3A_79 = tpu.vector_load %arg6[%get3A, %get3A_78] {strides = array<i32>} : memref<128x128xf32, #tpu.memory_space<vmem>>, vector<1x16xf32>,
      %get3A_80 = vector.shape_cast %get3A_79 : vector<1x16xf32> to vector<16xf32>
      %swap3A = arith.index_cast %add3A_77 : i32 to index
      %swap3A_81 = arith.constant 0 : index
      %swap3A_82 = tpu.vector_load %arg8[%swap3A, %swap3A_81] {strides = array<i32>} : memref<128x64xf32, #tpu.memory_space<vmem>>, vector<1x16xf32>,
      %swap3A_83 = vector.shape_cast %swap3A_82 : vector<1x16xf32> to vector<16xf32>
      %swap3A_84 = vector.shape_cast %get3A_80 : vector<16xf32> to vector<1x16xf32>
      tpu.vector_store %arg8[%swap3A, %swap3A_81], %swap3A_84 {strides = array<i32>} : memref<128x64xf32, #tpu.memory_space<vmem>>, vector<1x16xf32>,
      %get3A_85 = arith.index_cast %add3A_77 : i32 to index
      %get3A_86 = arith.constant 16 : index
      %get3A_87 = tpu.vector_load %arg6[%get3A_85, %get3A_86] {strides = array<i32>} : memref<128x128xf32, #tpu.memory_space<vmem>>, vector<1x16xf32>,
      %get3A_88 = vector.shape_cast %get3A_87 : vector<1x16xf32> to vector<16xf32>
      %swap3A_89 = arith.index_cast %add3A_77 : i32 to index
      %swap3A_90 = arith.constant 16 : index
      %swap3A_91 = tpu.vector_load %arg8[%swap3A_89, %swap3A_90] {strides = array<i32>} : memref<128x64xf32, #tpu.memory_space<vmem>>, vector<1x16xf32>,
      %swap3A_92 = vector.shape_cast %swap3A_91 : vector<1x16xf32> to vector<16xf32>
      %swap3A_93 = vector.shape_cast %get3A_88 : vector<16xf32> to vector<1x16xf32>
      tpu.vector_store %arg8[%swap3A_89, %swap3A_90], %swap3A_93 {strides = array<i32>} : memref<128x64xf32, #tpu.memory_space<vmem>>, vector<1x16xf32>,
      %get3A_94 = arith.index_cast %add3A_77 : i32 to index
      %get3A_95 = arith.constant 32 : index
      %get3A_96 = tpu.vector_load %arg6[%get3A_94, %get3A_95] {strides = array<i32>} : memref<128x128xf32, #tpu.memory_space<vmem>>, vector<1x16xf32>,
      %get3A_97 = vector.shape_cast %get3A_96 : vector<1x16xf32> to vector<16xf32>
      %swap3A_98 = arith.index_cast %add3A_77 : i32 to index
      %swap3A_99 = arith.constant 32 : index
      %swap3A_100 = tpu.vector_load %arg8[%swap3A_98, %swap3A_99] {strides = array<i32>} : memref<128x64xf32, #tpu.memory_space<vmem>>, vector<1x16xf32>,
      %swap3A_101 = vector.shape_cast %swap3A_100 : vector<1x16xf32> to vector<16xf32>
      %swap3A_102 = vector.shape_cast %get3A_97 : vector<16xf32> to vector<1x16xf32>
      tpu.vector_store %arg8[%swap3A_98, %swap3A_99], %swap3A_102 {strides = array<i32>} : memref<128x64xf32, #tpu.memory_space<vmem>>, vector<1x16xf32>,
      %get3A_103 = arith.index_cast %add3A_77 : i32 to index
      %get3A_104 = arith.constant 48 : index
      %get3A_105 = tpu.vector_load %arg6[%get3A_103, %get3A_104] {strides = array<i32>} : memref<128x128xf32, #tpu.memory_space<vmem>>, vector<1x16xf32>,
      %get3A_106 = vector.shape_cast %get3A_105 : vector<1x16xf32> to vector<16xf32>
      %swap3A_107 = arith.index_cast %add3A_77 : i32 to index
      %swap3A_108 = arith.constant 48 : index
      %swap3A_109 = tpu.vector_load %arg8[%swap3A_107, %swap3A_108] {strides = array<i32>} : memref<128x64xf32, #tpu.memory_space<vmem>>, vector<1x16xf32>,
      %swap3A_110 = vector.shape_cast %swap3A_109 : vector<1x16xf32> to vector<16xf32>
      %swap3A_111 = vector.shape_cast %get3A_106 : vector<16xf32> to vector<1x16xf32>
      tpu.vector_store %arg8[%swap3A_107, %swap3A_108], %swap3A_111 {strides = array<i32>} : memref<128x64xf32, #tpu.memory_space<vmem>>, vector<1x16xf32>,
    }
    %scan3A_19 = arith.constant 128 : i32
    %add3A_20 = arith.constant 0 : i32
    %add3A_21 = arith.addi %mul3A_2, %add3A_20 : i32
    "tpu.region"() ({
      %run_scoped3A = tpu.sem_alloc : memref<!tpu.dma_semaphore, #tpu.memory_space<semaphore_mem>>
      %dma_start3A_73 = arith.constant 0 : i32
      %dma_start3A_74 = tpu.memref_slice %arg4[%add3A_21, %dma_start3A_73] : memref<819200x64xf32, #tpu.memory_space<hbm>> -> memref<128x64xf32, #tpu.memory_space<hbm>>
      %dma_start3A_75 = arith.constant 0 : i32
      %dma_start3A_76 = tpu.memref_slice %arg4[%add3A_21, %dma_start3A_75] : memref<819200x64xf32, #tpu.memory_space<hbm>> -> memref<128x64xf32, #tpu.memory_space<hbm>>
      tpu.enqueue_dma source(%arg8 : memref<128x64xf32, #tpu.memory_space<vmem>>) target(%dma_start3A_76 : memref<128x64xf32, #tpu.memory_space<hbm>>) target_semaphore(%run_scoped3A : memref<!tpu.dma_semaphore, #tpu.memory_space<semaphore_mem>>)
      %dma_wait3A_77 = arith.constant 0 : i32
      %dma_wait3A_78 = tpu.memref_slice %arg4[%add3A_21, %dma_wait3A_77] : memref<819200x64xf32, #tpu.memory_space<hbm>> -> memref<128x64xf32, #tpu.memory_space<hbm>>
      %dma_wait3A_79 = arith.constant 0 : i32
      %dma_wait3A_80 = tpu.memref_slice %arg4[%add3A_21, %dma_wait3A_79] : memref<819200x64xf32, #tpu.memory_space<hbm>> -> memref<128x64xf32, #tpu.memory_space<hbm>>
      tpu.wait_dma2 semaphore(%run_scoped3A : memref<!tpu.dma_semaphore, #tpu.memory_space<semaphore_mem>>) src(%arg8 : memref<128x64xf32, #tpu.memory_space<vmem>>) dst(%dma_wait3A_80 : memref<128x64xf32, #tpu.memory_space<hbm>>)
      tpu.yield
    }) : () -> ()
    %dma_start3A_22 = arith.constant 256 : i32
    %dma_start3A_23 = tpu.memref_slice %arg5[%dma_start3A_22] : memref<25600xi32, #tpu.memory_space<vmem>> -> memref<128xi32, #tpu.memory_space<vmem>>
    %dma_start3A_24 = arith.constant 0 : i32
    %dma_start3A_25 = arith.constant 0 : i32
    %dma_start3A_26 = tpu.memref_slice %arg2[%dma_start3A_24, %dma_start3A_25] : memref<1000000x128xf32, #tpu.memory_space<hbm>> -> memref<1000000x128xf32, #tpu.memory_space<hbm>>
    tpu.enqueue_indirect_dma source(%dma_start3A_26 : memref<1000000x128xf32, #tpu.memory_space<hbm>>) target(%arg6 : memref<128x128xf32, #tpu.memory_space<vmem>>) offsets(%dma_start3A_23 : memref<128xi32, #tpu.memory_space<vmem>>) semaphore(%arg10 : memref<!tpu.dma_semaphore, #tpu.memory_space<semaphore_mem>>)
    %dma_wait3A_27 = arith.constant 128 : i32
    %dma_wait3A_28 = tpu.memref_slice %arg5[%dma_wait3A_27] : memref<25600xi32, #tpu.memory_space<vmem>> -> memref<128xi32, #tpu.memory_space<vmem>>
    %dma_wait3A_29 = arith.constant 0 : i32
    %dma_wait3A_30 = arith.constant 0 : i32
    %dma_wait3A_31 = tpu.memref_slice %arg2[%dma_wait3A_29, %dma_wait3A_30] : memref<1000000x128xf32, #tpu.memory_space<hbm>> -> memref<1000000x128xf32, #tpu.memory_space<hbm>>
    tpu.wait_indirect_dma semaphore(%arg11 : memref<!tpu.dma_semaphore, #tpu.memory_space<semaphore_mem>>) src(%dma_wait3A_31 : memref<1000000x128xf32, #tpu.memory_space<hbm>>) dst(%arg7 : memref<128x128xf32, #tpu.memory_space<vmem>>)
    %scan3A_32 = arith.constant 0 : i32
    %scan3A_33 = arith.constant 128 : i32
    %scan3A_34 = arith.addi %scan3A_32, %scan3A_33 : i32
    %scan3A_35 = arith.constant 1 : i32
    scf.for %scan3A_73 = %scan3A_32 to %scan3A_34 step %scan3A_35  : i32 {
      %mul3A_74 = arith.constant 1 : i32
      %mul3A_75 = arith.muli %scan3A_73, %mul3A_74 : i32
      %add3A_76 = arith.constant 0 : i32
      %add3A_77 = arith.addi %add3A_76, %mul3A_75 : i32
      %get3A = arith.index_cast %add3A_77 : i32 to index
      %get3A_78 = arith.constant 0 : index
      %get3A_79 = tpu.vector_load %arg7[%get3A, %get3A_78] {strides = array<i32>} : memref<128x128xf32, #tpu.memory_space<vmem>>, vector<1x16xf32>,
      %get3A_80 = vector.shape_cast %get3A_79 : vector<1x16xf32> to vector<16xf32>
      %swap3A = arith.index_cast %add3A_77 : i32 to index
      %swap3A_81 = arith.constant 0 : index
      %swap3A_82 = tpu.vector_load %arg9[%swap3A, %swap3A_81] {strides = array<i32>} : memref<128x64xf32, #tpu.memory_space<vmem>>, vector<1x16xf32>,
      %swap3A_83 = vector.shape_cast %swap3A_82 : vector<1x16xf32> to vector<16xf32>
      %swap3A_84 = vector.shape_cast %get3A_80 : vector<16xf32> to vector<1x16xf32>
      tpu.vector_store %arg9[%swap3A, %swap3A_81], %swap3A_84 {strides = array<i32>} : memref<128x64xf32, #tpu.memory_space<vmem>>, vector<1x16xf32>,
      %get3A_85 = arith.index_cast %add3A_77 : i32 to index
      %get3A_86 = arith.constant 16 : index
      %get3A_87 = tpu.vector_load %arg7[%get3A_85, %get3A_86] {strides = array<i32>} : memref<128x128xf32, #tpu.memory_space<vmem>>, vector<1x16xf32>,
      %get3A_88 = vector.shape_cast %get3A_87 : vector<1x16xf32> to vector<16xf32>
      %swap3A_89 = arith.index_cast %add3A_77 : i32 to index
      %swap3A_90 = arith.constant 16 : index
      %swap3A_91 = tpu.vector_load %arg9[%swap3A_89, %swap3A_90] {strides = array<i32>} : memref<128x64xf32, #tpu.memory_space<vmem>>, vector<1x16xf32>,
      %swap3A_92 = vector.shape_cast %swap3A_91 : vector<1x16xf32> to vector<16xf32>
      %swap3A_93 = vector.shape_cast %get3A_88 : vector<16xf32> to vector<1x16xf32>
      tpu.vector_store %arg9[%swap3A_89, %swap3A_90], %swap3A_93 {strides = array<i32>} : memref<128x64xf32, #tpu.memory_space<vmem>>, vector<1x16xf32>,
      %get3A_94 = arith.index_cast %add3A_77 : i32 to index
      %get3A_95 = arith.constant 32 : index
      %get3A_96 = tpu.vector_load %arg7[%get3A_94, %get3A_95] {strides = array<i32>} : memref<128x128xf32, #tpu.memory_space<vmem>>, vector<1x16xf32>,
      %get3A_97 = vector.shape_cast %get3A_96 : vector<1x16xf32> to vector<16xf32>
      %swap3A_98 = arith.index_cast %add3A_77 : i32 to index
      %swap3A_99 = arith.constant 32 : index
      %swap3A_100 = tpu.vector_load %arg9[%swap3A_98, %swap3A_99] {strides = array<i32>} : memref<128x64xf32, #tpu.memory_space<vmem>>, vector<1x16xf32>,
      %swap3A_101 = vector.shape_cast %swap3A_100 : vector<1x16xf32> to vector<16xf32>
      %swap3A_102 = vector.shape_cast %get3A_97 : vector<16xf32> to vector<1x16xf32>
      tpu.vector_store %arg9[%swap3A_98, %swap3A_99], %swap3A_102 {strides = array<i32>} : memref<128x64xf32, #tpu.memory_space<vmem>>, vector<1x16xf32>,
      %get3A_103 = arith.index_cast %add3A_77 : i32 to index
      %get3A_104 = arith.constant 48 : index
      %get3A_105 = tpu.vector_load %arg7[%get3A_103, %get3A_104] {strides = array<i32>} : memref<128x128xf32, #tpu.memory_space<vmem>>, vector<1x16xf32>,
      %get3A_106 = vector.shape_cast %get3A_105 : vector<1x16xf32> to vector<16xf32>
      %swap3A_107 = arith.index_cast %add3A_77 : i32 to index
      %swap3A_108 = arith.constant 48 : index
      %swap3A_109 = tpu.vector_load %arg9[%swap3A_107, %swap3A_108] {strides = array<i32>} : memref<128x64xf32, #tpu.memory_space<vmem>>, vector<1x16xf32>,
      %swap3A_110 = vector.shape_cast %swap3A_109 : vector<1x16xf32> to vector<16xf32>
      %swap3A_111 = vector.shape_cast %get3A_106 : vector<16xf32> to vector<1x16xf32>
      tpu.vector_store %arg9[%swap3A_107, %swap3A_108], %swap3A_111 {strides = array<i32>} : memref<128x64xf32, #tpu.memory_space<vmem>>, vector<1x16xf32>,
    }
    %scan3A_36 = arith.constant 128 : i32
    %add3A_37 = arith.constant 128 : i32
    %add3A_38 = arith.addi %mul3A_2, %add3A_37 : i32
    "tpu.region"() ({
      %run_scoped3A = tpu.sem_alloc : memref<!tpu.dma_semaphore, #tpu.memory_space<semaphore_mem>>
      %dma_start3A_73 = arith.constant 0 : i32
      %dma_start3A_74 = tpu.memref_slice %arg4[%add3A_38, %dma_start3A_73] : memref<819200x64xf32, #tpu.memory_space<hbm>> -> memref<128x64xf32, #tpu.memory_space<hbm>>
      %dma_start3A_75 = arith.constant 0 : i32
      %dma_start3A_76 = tpu.memref_slice %arg4[%add3A_38, %dma_start3A_75] : memref<819200x64xf32, #tpu.memory_space<hbm>> -> memref<128x64xf32, #tpu.memory_space<hbm>>
      tpu.enqueue_dma source(%arg9 : memref<128x64xf32, #tpu.memory_space<vmem>>) target(%dma_start3A_76 : memref<128x64xf32, #tpu.memory_space<hbm>>) target_semaphore(%run_scoped3A : memref<!tpu.dma_semaphore, #tpu.memory_space<semaphore_mem>>)
      %dma_wait3A_77 = arith.constant 0 : i32
      %dma_wait3A_78 = tpu.memref_slice %arg4[%add3A_38, %dma_wait3A_77] : memref<819200x64xf32, #tpu.memory_space<hbm>> -> memref<128x64xf32, #tpu.memory_space<hbm>>
      %dma_wait3A_79 = arith.constant 0 : i32
      %dma_wait3A_80 = tpu.memref_slice %arg4[%add3A_38, %dma_wait3A_79] : memref<819200x64xf32, #tpu.memory_space<hbm>> -> memref<128x64xf32, #tpu.memory_space<hbm>>
      tpu.wait_dma2 semaphore(%run_scoped3A : memref<!tpu.dma_semaphore, #tpu.memory_space<semaphore_mem>>) src(%arg9 : memref<128x64xf32, #tpu.memory_space<vmem>>) dst(%dma_wait3A_80 : memref<128x64xf32, #tpu.memory_space<hbm>>)
      tpu.yield
    }) : () -> ()
    %dma_start3A_39 = arith.constant 384 : i32
    %dma_start3A_40 = tpu.memref_slice %arg5[%dma_start3A_39] : memref<25600xi32, #tpu.memory_space<vmem>> -> memref<128xi32, #tpu.memory_space<vmem>>
    %dma_start3A_41 = arith.constant 0 : i32
    %dma_start3A_42 = arith.constant 0 : i32
    %dma_start3A_43 = tpu.memref_slice %arg2[%dma_start3A_41, %dma_start3A_42] : memref<1000000x128xf32, #tpu.memory_space<hbm>> -> memref<1000000x128xf32, #tpu.memory_space<hbm>>
    tpu.enqueue_indirect_dma source(%dma_start3A_43 : memref<1000000x128xf32, #tpu.memory_space<hbm>>) target(%arg7 : memref<128x128xf32, #tpu.memory_space<vmem>>) offsets(%dma_start3A_40 : memref<128xi32, #tpu.memory_space<vmem>>) semaphore(%arg11 : memref<!tpu.dma_semaphore, #tpu.memory_space<semaphore_mem>>)
    %scan3A_44 = arith.constant 0 : i32
    %scan3A_45 = arith.constant 98 : i32
    %scan3A_46 = arith.addi %scan3A_44, %scan3A_45 : i32
    %scan3A_47 = arith.constant 1 : i32
    scf.for %scan3A_73 = %scan3A_44 to %scan3A_46 step %scan3A_47  : i32 {
      %mul3A_74 = arith.constant 2 : i32
      %mul3A_75 = arith.muli %scan3A_73, %mul3A_74 : i32
      %add3A_76 = arith.constant 2 : i32
      %add3A_77 = arith.addi %add3A_76, %mul3A_75 : i32
      %add3A_78 = arith.constant 0 : i32
      %add3A_79 = arith.addi %add3A_77, %add3A_78 : i32
      %mul3A_80 = arith.constant 128 : i32
      %mul3A_81 = arith.muli %add3A_79, %mul3A_80 : i32
      %dma_wait3A_82 = tpu.memref_slice %arg5[%mul3A_81] : memref<25600xi32, #tpu.memory_space<vmem>> -> memref<128xi32, #tpu.memory_space<vmem>>
      %dma_wait3A_83 = arith.constant 0 : i32
      %dma_wait3A_84 = arith.constant 0 : i32
      %dma_wait3A_85 = tpu.memref_slice %arg2[%dma_wait3A_83, %dma_wait3A_84] : memref<1000000x128xf32, #tpu.memory_space<hbm>> -> memref<1000000x128xf32, #tpu.memory_space<hbm>>
      tpu.wait_indirect_dma semaphore(%arg10 : memref<!tpu.dma_semaphore, #tpu.memory_space<semaphore_mem>>) src(%dma_wait3A_85 : memref<1000000x128xf32, #tpu.memory_space<hbm>>) dst(%arg6 : memref<128x128xf32, #tpu.memory_space<vmem>>)
      %scan3A_86 = arith.constant 0 : i32
      %scan3A_87 = arith.constant 128 : i32
      %scan3A_88 = arith.addi %scan3A_86, %scan3A_87 : i32
      %scan3A_89 = arith.constant 1 : i32
      scf.for %scan3A_126 = %scan3A_86 to %scan3A_88 step %scan3A_89  : i32 {
        %mul3A_127 = arith.constant 1 : i32
        %mul3A_128 = arith.muli %scan3A_126, %mul3A_127 : i32
        %add3A_129 = arith.constant 0 : i32
        %add3A_130 = arith.addi %add3A_129, %mul3A_128 : i32
        %get3A = arith.index_cast %add3A_130 : i32 to index
        %get3A_131 = arith.constant 0 : index
        %get3A_132 = tpu.vector_load %arg6[%get3A, %get3A_131] {strides = array<i32>} : memref<128x128xf32, #tpu.memory_space<vmem>>, vector<1x16xf32>,
        %get3A_133 = vector.shape_cast %get3A_132 : vector<1x16xf32> to vector<16xf32>
        %swap3A = arith.index_cast %add3A_130 : i32 to index
        %swap3A_134 = arith.constant 0 : index
        %swap3A_135 = tpu.vector_load %arg8[%swap3A, %swap3A_134] {strides = array<i32>} : memref<128x64xf32, #tpu.memory_space<vmem>>, vector<1x16xf32>,
        %swap3A_136 = vector.shape_cast %swap3A_135 : vector<1x16xf32> to vector<16xf32>
        %swap3A_137 = vector.shape_cast %get3A_133 : vector<16xf32> to vector<1x16xf32>
        tpu.vector_store %arg8[%swap3A, %swap3A_134], %swap3A_137 {strides = array<i32>} : memref<128x64xf32, #tpu.memory_space<vmem>>, vector<1x16xf32>,
        %get3A_138 = arith.index_cast %add3A_130 : i32 to index
        %get3A_139 = arith.constant 16 : index
        %get3A_140 = tpu.vector_load %arg6[%get3A_138, %get3A_139] {strides = array<i32>} : memref<128x128xf32, #tpu.memory_space<vmem>>, vector<1x16xf32>,
        %get3A_141 = vector.shape_cast %get3A_140 : vector<1x16xf32> to vector<16xf32>
        %swap3A_142 = arith.index_cast %add3A_130 : i32 to index
        %swap3A_143 = arith.constant 16 : index
        %swap3A_144 = tpu.vector_load %arg8[%swap3A_142, %swap3A_143] {strides = array<i32>} : memref<128x64xf32, #tpu.memory_space<vmem>>, vector<1x16xf32>,
        %swap3A_145 = vector.shape_cast %swap3A_144 : vector<1x16xf32> to vector<16xf32>
        %swap3A_146 = vector.shape_cast %get3A_141 : vector<16xf32> to vector<1x16xf32>
        tpu.vector_store %arg8[%swap3A_142, %swap3A_143], %swap3A_146 {strides = array<i32>} : memref<128x64xf32, #tpu.memory_space<vmem>>, vector<1x16xf32>,
        %get3A_147 = arith.index_cast %add3A_130 : i32 to index
        %get3A_148 = arith.constant 32 : index
        %get3A_149 = tpu.vector_load %arg6[%get3A_147, %get3A_148] {strides = array<i32>} : memref<128x128xf32, #tpu.memory_space<vmem>>, vector<1x16xf32>,
        %get3A_150 = vector.shape_cast %get3A_149 : vector<1x16xf32> to vector<16xf32>
        %swap3A_151 = arith.index_cast %add3A_130 : i32 to index
        %swap3A_152 = arith.constant 32 : index
        %swap3A_153 = tpu.vector_load %arg8[%swap3A_151, %swap3A_152] {strides = array<i32>} : memref<128x64xf32, #tpu.memory_space<vmem>>, vector<1x16xf32>,
        %swap3A_154 = vector.shape_cast %swap3A_153 : vector<1x16xf32> to vector<16xf32>
        %swap3A_155 = vector.shape_cast %get3A_150 : vector<16xf32> to vector<1x16xf32>
        tpu.vector_store %arg8[%swap3A_151, %swap3A_152], %swap3A_155 {strides = array<i32>} : memref<128x64xf32, #tpu.memory_space<vmem>>, vector<1x16xf32>,
        %get3A_156 = arith.index_cast %add3A_130 : i32 to index
        %get3A_157 = arith.constant 48 : index
        %get3A_158 = tpu.vector_load %arg6[%get3A_156, %get3A_157] {strides = array<i32>} : memref<128x128xf32, #tpu.memory_space<vmem>>, vector<1x16xf32>,
        %get3A_159 = vector.shape_cast %get3A_158 : vector<1x16xf32> to vector<16xf32>
        %swap3A_160 = arith.index_cast %add3A_130 : i32 to index
        %swap3A_161 = arith.constant 48 : index
        %swap3A_162 = tpu.vector_load %arg8[%swap3A_160, %swap3A_161] {strides = array<i32>} : memref<128x64xf32, #tpu.memory_space<vmem>>, vector<1x16xf32>,
        %swap3A_163 = vector.shape_cast %swap3A_162 : vector<1x16xf32> to vector<16xf32>
        %swap3A_164 = vector.shape_cast %get3A_159 : vector<16xf32> to vector<1x16xf32>
        tpu.vector_store %arg8[%swap3A_160, %swap3A_161], %swap3A_164 {strides = array<i32>} : memref<128x64xf32, #tpu.memory_space<vmem>>, vector<1x16xf32>,
      }
      %scan3A_90 = arith.constant 128 : i32
      %mul3A_91 = arith.constant 128 : i32
      %mul3A_92 = arith.muli %add3A_79, %mul3A_91 : i32
      %add3A_93 = arith.addi %mul3A_2, %mul3A_92 : i32
      "tpu.region"() ({
        %run_scoped3A = tpu.sem_alloc : memref<!tpu.dma_semaphore, #tpu.memory_space<semaphore_mem>>
        %dma_start3A_126 = arith.constant 0 : i32
        %dma_start3A_127 = tpu.memref_slice %arg4[%add3A_93, %dma_start3A_126] : memref<819200x64xf32, #tpu.memory_space<hbm>> -> memref<128x64xf32, #tpu.memory_space<hbm>>
        %dma_start3A_128 = arith.constant 0 : i32
        %dma_start3A_129 = tpu.memref_slice %arg4[%add3A_93, %dma_start3A_128] : memref<819200x64xf32, #tpu.memory_space<hbm>> -> memref<128x64xf32, #tpu.memory_space<hbm>>
        tpu.enqueue_dma source(%arg8 : memref<128x64xf32, #tpu.memory_space<vmem>>) target(%dma_start3A_129 : memref<128x64xf32, #tpu.memory_space<hbm>>) target_semaphore(%run_scoped3A : memref<!tpu.dma_semaphore, #tpu.memory_space<semaphore_mem>>)
        %dma_wait3A_130 = arith.constant 0 : i32
        %dma_wait3A_131 = tpu.memref_slice %arg4[%add3A_93, %dma_wait3A_130] : memref<819200x64xf32, #tpu.memory_space<hbm>> -> memref<128x64xf32, #tpu.memory_space<hbm>>
        %dma_wait3A_132 = arith.constant 0 : i32
        %dma_wait3A_133 = tpu.memref_slice %arg4[%add3A_93, %dma_wait3A_132] : memref<819200x64xf32, #tpu.memory_space<hbm>> -> memref<128x64xf32, #tpu.memory_space<hbm>>
        tpu.wait_dma2 semaphore(%run_scoped3A : memref<!tpu.dma_semaphore, #tpu.memory_space<semaphore_mem>>) src(%arg8 : memref<128x64xf32, #tpu.memory_space<vmem>>) dst(%dma_wait3A_133 : memref<128x64xf32, #tpu.memory_space<hbm>>)
        tpu.yield
      }) : () -> ()
      %add3A_94 = arith.constant 2 : i32
      %add3A_95 = arith.addi %add3A_79, %add3A_94 : i32
      %mul3A_96 = arith.constant 128 : i32
      %mul3A_97 = arith.muli %add3A_95, %mul3A_96 : i32
      %dma_start3A_98 = tpu.memref_slice %arg5[%mul3A_97] : memref<25600xi32, #tpu.memory_space<vmem>> -> memref<128xi32, #tpu.memory_space<vmem>>
      %dma_start3A_99 = arith.constant 0 : i32
      %dma_start3A_100 = arith.constant 0 : i32
      %dma_start3A_101 = tpu.memref_slice %arg2[%dma_start3A_99, %dma_start3A_100] : memref<1000000x128xf32, #tpu.memory_space<hbm>> -> memref<1000000x128xf32, #tpu.memory_space<hbm>>
      tpu.enqueue_indirect_dma source(%dma_start3A_101 : memref<1000000x128xf32, #tpu.memory_space<hbm>>) target(%arg6 : memref<128x128xf32, #tpu.memory_space<vmem>>) offsets(%dma_start3A_98 : memref<128xi32, #tpu.memory_space<vmem>>) semaphore(%arg10 : memref<!tpu.dma_semaphore, #tpu.memory_space<semaphore_mem>>)
      %add3A_102 = arith.constant 1 : i32
      %add3A_103 = arith.addi %add3A_77, %add3A_102 : i32
      %mul3A_104 = arith.constant 128 : i32
      %mul3A_105 = arith.muli %add3A_103, %mul3A_104 : i32
      %dma_wait3A_106 = tpu.memref_slice %arg5[%mul3A_105] : memref<25600xi32, #tpu.memory_space<vmem>> -> memref<128xi32, #tpu.memory_space<vmem>>
      %dma_wait3A_107 = arith.constant 0 : i32
      %dma_wait3A_108 = arith.constant 0 : i32
      %dma_wait3A_109 = tpu.memref_slice %arg2[%dma_wait3A_107, %dma_wait3A_108] : memref<1000000x128xf32, #tpu.memory_space<hbm>> -> memref<1000000x128xf32, #tpu.memory_space<hbm>>
      tpu.wait_indirect_dma semaphore(%arg11 : memref<!tpu.dma_semaphore, #tpu.memory_space<semaphore_mem>>) src(%dma_wait3A_109 : memref<1000000x128xf32, #tpu.memory_space<hbm>>) dst(%arg7 : memref<128x128xf32, #tpu.memory_space<vmem>>)
      %scan3A_110 = arith.constant 0 : i32
      %scan3A_111 = arith.constant 128 : i32
      %scan3A_112 = arith.addi %scan3A_110, %scan3A_111 : i32
      %scan3A_113 = arith.constant 1 : i32
      scf.for %scan3A_126 = %scan3A_110 to %scan3A_112 step %scan3A_113  : i32 {
        %mul3A_127 = arith.constant 1 : i32
        %mul3A_128 = arith.muli %scan3A_126, %mul3A_127 : i32
        %add3A_129 = arith.constant 0 : i32
        %add3A_130 = arith.addi %add3A_129, %mul3A_128 : i32
        %get3A = arith.index_cast %add3A_130 : i32 to index
        %get3A_131 = arith.constant 0 : index
        %get3A_132 = tpu.vector_load %arg7[%get3A, %get3A_131] {strides = array<i32>} : memref<128x128xf32, #tpu.memory_space<vmem>>, vector<1x16xf32>,
        %get3A_133 = vector.shape_cast %get3A_132 : vector<1x16xf32> to vector<16xf32>
        %swap3A = arith.index_cast %add3A_130 : i32 to index
        %swap3A_134 = arith.constant 0 : index
        %swap3A_135 = tpu.vector_load %arg9[%swap3A, %swap3A_134] {strides = array<i32>} : memref<128x64xf32, #tpu.memory_space<vmem>>, vector<1x16xf32>,
        %swap3A_136 = vector.shape_cast %swap3A_135 : vector<1x16xf32> to vector<16xf32>
        %swap3A_137 = vector.shape_cast %get3A_133 : vector<16xf32> to vector<1x16xf32>
        tpu.vector_store %arg9[%swap3A, %swap3A_134], %swap3A_137 {strides = array<i32>} : memref<128x64xf32, #tpu.memory_space<vmem>>, vector<1x16xf32>,
        %get3A_138 = arith.index_cast %add3A_130 : i32 to index
        %get3A_139 = arith.constant 16 : index
        %get3A_140 = tpu.vector_load %arg7[%get3A_138, %get3A_139] {strides = array<i32>} : memref<128x128xf32, #tpu.memory_space<vmem>>, vector<1x16xf32>,
        %get3A_141 = vector.shape_cast %get3A_140 : vector<1x16xf32> to vector<16xf32>
        %swap3A_142 = arith.index_cast %add3A_130 : i32 to index
        %swap3A_143 = arith.constant 16 : index
        %swap3A_144 = tpu.vector_load %arg9[%swap3A_142, %swap3A_143] {strides = array<i32>} : memref<128x64xf32, #tpu.memory_space<vmem>>, vector<1x16xf32>,
        %swap3A_145 = vector.shape_cast %swap3A_144 : vector<1x16xf32> to vector<16xf32>
        %swap3A_146 = vector.shape_cast %get3A_141 : vector<16xf32> to vector<1x16xf32>
        tpu.vector_store %arg9[%swap3A_142, %swap3A_143], %swap3A_146 {strides = array<i32>} : memref<128x64xf32, #tpu.memory_space<vmem>>, vector<1x16xf32>,
        %get3A_147 = arith.index_cast %add3A_130 : i32 to index
        %get3A_148 = arith.constant 32 : index
        %get3A_149 = tpu.vector_load %arg7[%get3A_147, %get3A_148] {strides = array<i32>} : memref<128x128xf32, #tpu.memory_space<vmem>>, vector<1x16xf32>,
        %get3A_150 = vector.shape_cast %get3A_149 : vector<1x16xf32> to vector<16xf32>
        %swap3A_151 = arith.index_cast %add3A_130 : i32 to index
        %swap3A_152 = arith.constant 32 : index
        %swap3A_153 = tpu.vector_load %arg9[%swap3A_151, %swap3A_152] {strides = array<i32>} : memref<128x64xf32, #tpu.memory_space<vmem>>, vector<1x16xf32>,
        %swap3A_154 = vector.shape_cast %swap3A_153 : vector<1x16xf32> to vector<16xf32>
        %swap3A_155 = vector.shape_cast %get3A_150 : vector<16xf32> to vector<1x16xf32>
        tpu.vector_store %arg9[%swap3A_151, %swap3A_152], %swap3A_155 {strides = array<i32>} : memref<128x64xf32, #tpu.memory_space<vmem>>, vector<1x16xf32>,
        %get3A_156 = arith.index_cast %add3A_130 : i32 to index
        %get3A_157 = arith.constant 48 : index
        %get3A_158 = tpu.vector_load %arg7[%get3A_156, %get3A_157] {strides = array<i32>} : memref<128x128xf32, #tpu.memory_space<vmem>>, vector<1x16xf32>,
        %get3A_159 = vector.shape_cast %get3A_158 : vector<1x16xf32> to vector<16xf32>
        %swap3A_160 = arith.index_cast %add3A_130 : i32 to index
        %swap3A_161 = arith.constant 48 : index
        %swap3A_162 = tpu.vector_load %arg9[%swap3A_160, %swap3A_161] {strides = array<i32>} : memref<128x64xf32, #tpu.memory_space<vmem>>, vector<1x16xf32>,
        %swap3A_163 = vector.shape_cast %swap3A_162 : vector<1x16xf32> to vector<16xf32>
        %swap3A_164 = vector.shape_cast %get3A_159 : vector<16xf32> to vector<1x16xf32>
        tpu.vector_store %arg9[%swap3A_160, %swap3A_161], %swap3A_164 {strides = array<i32>} : memref<128x64xf32, #tpu.memory_space<vmem>>, vector<1x16xf32>,
      }
      %scan3A_114 = arith.constant 128 : i32
      %mul3A_115 = arith.constant 128 : i32
      %mul3A_116 = arith.muli %add3A_103, %mul3A_115 : i32
      %add3A_117 = arith.addi %mul3A_2, %mul3A_116 : i32
      "tpu.region"() ({
        %run_scoped3A = tpu.sem_alloc : memref<!tpu.dma_semaphore, #tpu.memory_space<semaphore_mem>>
        %dma_start3A_126 = arith.constant 0 : i32
        %dma_start3A_127 = tpu.memref_slice %arg4[%add3A_117, %dma_start3A_126] : memref<819200x64xf32, #tpu.memory_space<hbm>> -> memref<128x64xf32, #tpu.memory_space<hbm>>
        %dma_start3A_128 = arith.constant 0 : i32
        %dma_start3A_129 = tpu.memref_slice %arg4[%add3A_117, %dma_start3A_128] : memref<819200x64xf32, #tpu.memory_space<hbm>> -> memref<128x64xf32, #tpu.memory_space<hbm>>
        tpu.enqueue_dma source(%arg9 : memref<128x64xf32, #tpu.memory_space<vmem>>) target(%dma_start3A_129 : memref<128x64xf32, #tpu.memory_space<hbm>>) target_semaphore(%run_scoped3A : memref<!tpu.dma_semaphore, #tpu.memory_space<semaphore_mem>>)
        %dma_wait3A_130 = arith.constant 0 : i32
        %dma_wait3A_131 = tpu.memref_slice %arg4[%add3A_117, %dma_wait3A_130] : memref<819200x64xf32, #tpu.memory_space<hbm>> -> memref<128x64xf32, #tpu.memory_space<hbm>>
        %dma_wait3A_132 = arith.constant 0 : i32
        %dma_wait3A_133 = tpu.memref_slice %arg4[%add3A_117, %dma_wait3A_132] : memref<819200x64xf32, #tpu.memory_space<hbm>> -> memref<128x64xf32, #tpu.memory_space<hbm>>
        tpu.wait_dma2 semaphore(%run_scoped3A : memref<!tpu.dma_semaphore, #tpu.memory_space<semaphore_mem>>) src(%arg9 : memref<128x64xf32, #tpu.memory_space<vmem>>) dst(%dma_wait3A_133 : memref<128x64xf32, #tpu.memory_space<hbm>>)
        tpu.yield
      }) : () -> ()
      %add3A_118 = arith.constant 2 : i32
      %add3A_119 = arith.addi %add3A_103, %add3A_118 : i32
      %mul3A_120 = arith.constant 128 : i32
      %mul3A_121 = arith.muli %add3A_119, %mul3A_120 : i32
      %dma_start3A_122 = tpu.memref_slice %arg5[%mul3A_121] : memref<25600xi32, #tpu.memory_space<vmem>> -> memref<128xi32, #tpu.memory_space<vmem>>
      %dma_start3A_123 = arith.constant 0 : i32
      %dma_start3A_124 = arith.constant 0 : i32
      %dma_start3A_125 = tpu.memref_slice %arg2[%dma_start3A_123, %dma_start3A_124] : memref<1000000x128xf32, #tpu.memory_space<hbm>> -> memref<1000000x128xf32, #tpu.memory_space<hbm>>
      tpu.enqueue_indirect_dma source(%dma_start3A_125 : memref<1000000x128xf32, #tpu.memory_space<hbm>>) target(%arg7 : memref<128x128xf32, #tpu.memory_space<vmem>>) offsets(%dma_start3A_122 : memref<128xi32, #tpu.memory_space<vmem>>) semaphore(%arg11 : memref<!tpu.dma_semaphore, #tpu.memory_space<semaphore_mem>>)
    }
    %scan3A_48 = arith.constant 98 : i32
    %dma_wait3A_49 = arith.constant 25344 : i32
    %dma_wait3A_50 = tpu.memref_slice %arg5[%dma_wait3A_49] : memref<25600xi32, #tpu.memory_space<vmem>> -> memref<128xi32, #tpu.memory_space<vmem>>
    %dma_wait3A_51 = arith.constant 0 : i32
    %dma_wait3A_52 = arith.constant 0 : i32
    %dma_wait3A_53 = tpu.memref_slice %arg2[%dma_wait3A_51, %dma_wait3A_52] : memref<1000000x128xf32, #tpu.memory_space<hbm>> -> memref<1000000x128xf32, #tpu.memory_space<hbm>>
    tpu.wait_indirect_dma semaphore(%arg10 : memref<!tpu.dma_semaphore, #tpu.memory_space<semaphore_mem>>) src(%dma_wait3A_53 : memref<1000000x128xf32, #tpu.memory_space<hbm>>) dst(%arg6 : memref<128x128xf32, #tpu.memory_space<vmem>>)
    %scan3A_54 = arith.constant 0 : i32
    %scan3A_55 = arith.constant 128 : i32
    %scan3A_56 = arith.addi %scan3A_54, %scan3A_55 : i32
    %scan3A_57 = arith.constant 1 : i32
    scf.for %scan3A_73 = %scan3A_54 to %scan3A_56 step %scan3A_57  : i32 {
      %mul3A_74 = arith.constant 1 : i32
      %mul3A_75 = arith.muli %scan3A_73, %mul3A_74 : i32
      %add3A_76 = arith.constant 0 : i32
      %add3A_77 = arith.addi %add3A_76, %mul3A_75 : i32
      %get3A = arith.index_cast %add3A_77 : i32 to index
      %get3A_78 = arith.constant 0 : index
      %get3A_79 = tpu.vector_load %arg6[%get3A, %get3A_78] {strides = array<i32>} : memref<128x128xf32, #tpu.memory_space<vmem>>, vector<1x16xf32>,
      %get3A_80 = vector.shape_cast %get3A_79 : vector<1x16xf32> to vector<16xf32>
      %swap3A = arith.index_cast %add3A_77 : i32 to index
      %swap3A_81 = arith.constant 0 : index
      %swap3A_82 = tpu.vector_load %arg8[%swap3A, %swap3A_81] {strides = array<i32>} : memref<128x64xf32, #tpu.memory_space<vmem>>, vector<1x16xf32>,
      %swap3A_83 = vector.shape_cast %swap3A_82 : vector<1x16xf32> to vector<16xf32>
      %swap3A_84 = vector.shape_cast %get3A_80 : vector<16xf32> to vector<1x16xf32>
      tpu.vector_store %arg8[%swap3A, %swap3A_81], %swap3A_84 {strides = array<i32>} : memref<128x64xf32, #tpu.memory_space<vmem>>, vector<1x16xf32>,
      %get3A_85 = arith.index_cast %add3A_77 : i32 to index
      %get3A_86 = arith.constant 16 : index
      %get3A_87 = tpu.vector_load %arg6[%get3A_85, %get3A_86] {strides = array<i32>} : memref<128x128xf32, #tpu.memory_space<vmem>>, vector<1x16xf32>,
      %get3A_88 = vector.shape_cast %get3A_87 : vector<1x16xf32> to vector<16xf32>
      %swap3A_89 = arith.index_cast %add3A_77 : i32 to index
      %swap3A_90 = arith.constant 16 : index
      %swap3A_91 = tpu.vector_load %arg8[%swap3A_89, %swap3A_90] {strides = array<i32>} : memref<128x64xf32, #tpu.memory_space<vmem>>, vector<1x16xf32>,
      %swap3A_92 = vector.shape_cast %swap3A_91 : vector<1x16xf32> to vector<16xf32>
      %swap3A_93 = vector.shape_cast %get3A_88 : vector<16xf32> to vector<1x16xf32>
      tpu.vector_store %arg8[%swap3A_89, %swap3A_90], %swap3A_93 {strides = array<i32>} : memref<128x64xf32, #tpu.memory_space<vmem>>, vector<1x16xf32>,
      %get3A_94 = arith.index_cast %add3A_77 : i32 to index
      %get3A_95 = arith.constant 32 : index
      %get3A_96 = tpu.vector_load %arg6[%get3A_94, %get3A_95] {strides = array<i32>} : memref<128x128xf32, #tpu.memory_space<vmem>>, vector<1x16xf32>,
      %get3A_97 = vector.shape_cast %get3A_96 : vector<1x16xf32> to vector<16xf32>
      %swap3A_98 = arith.index_cast %add3A_77 : i32 to index
      %swap3A_99 = arith.constant 32 : index
      %swap3A_100 = tpu.vector_load %arg8[%swap3A_98, %swap3A_99] {strides = array<i32>} : memref<128x64xf32, #tpu.memory_space<vmem>>, vector<1x16xf32>,
      %swap3A_101 = vector.shape_cast %swap3A_100 : vector<1x16xf32> to vector<16xf32>
      %swap3A_102 = vector.shape_cast %get3A_97 : vector<16xf32> to vector<1x16xf32>
      tpu.vector_store %arg8[%swap3A_98, %swap3A_99], %swap3A_102 {strides = array<i32>} : memref<128x64xf32, #tpu.memory_space<vmem>>, vector<1x16xf32>,
      %get3A_103 = arith.index_cast %add3A_77 : i32 to index
      %get3A_104 = arith.constant 48 : index
      %get3A_105 = tpu.vector_load %arg6[%get3A_103, %get3A_104] {strides = array<i32>} : memref<128x128xf32, #tpu.memory_space<vmem>>, vector<1x16xf32>,
      %get3A_106 = vector.shape_cast %get3A_105 : vector<1x16xf32> to vector<16xf32>
      %swap3A_107 = arith.index_cast %add3A_77 : i32 to index
      %swap3A_108 = arith.constant 48 : index
      %swap3A_109 = tpu.vector_load %arg8[%swap3A_107, %swap3A_108] {strides = array<i32>} : memref<128x64xf32, #tpu.memory_space<vmem>>, vector<1x16xf32>,
      %swap3A_110 = vector.shape_cast %swap3A_109 : vector<1x16xf32> to vector<16xf32>
      %swap3A_111 = vector.shape_cast %get3A_106 : vector<16xf32> to vector<1x16xf32>
      tpu.vector_store %arg8[%swap3A_107, %swap3A_108], %swap3A_111 {strides = array<i32>} : memref<128x64xf32, #tpu.memory_space<vmem>>, vector<1x16xf32>,
    }
    %scan3A_58 = arith.constant 128 : i32
    %add3A_59 = arith.constant 25344 : i32
    %add3A_60 = arith.addi %mul3A_2, %add3A_59 : i32
    "tpu.region"() ({
      %run_scoped3A = tpu.sem_alloc : memref<!tpu.dma_semaphore, #tpu.memory_space<semaphore_mem>>
      %dma_start3A_73 = arith.constant 0 : i32
      %dma_start3A_74 = tpu.memref_slice %arg4[%add3A_60, %dma_start3A_73] : memref<819200x64xf32, #tpu.memory_space<hbm>> -> memref<128x64xf32, #tpu.memory_space<hbm>>
      %dma_start3A_75 = arith.constant 0 : i32
      %dma_start3A_76 = tpu.memref_slice %arg4[%add3A_60, %dma_start3A_75] : memref<819200x64xf32, #tpu.memory_space<hbm>> -> memref<128x64xf32, #tpu.memory_space<hbm>>
      tpu.enqueue_dma source(%arg8 : memref<128x64xf32, #tpu.memory_space<vmem>>) target(%dma_start3A_76 : memref<128x64xf32, #tpu.memory_space<hbm>>) target_semaphore(%run_scoped3A : memref<!tpu.dma_semaphore, #tpu.memory_space<semaphore_mem>>)
      %dma_wait3A_77 = arith.constant 0 : i32
      %dma_wait3A_78 = tpu.memref_slice %arg4[%add3A_60, %dma_wait3A_77] : memref<819200x64xf32, #tpu.memory_space<hbm>> -> memref<128x64xf32, #tpu.memory_space<hbm>>
      %dma_wait3A_79 = arith.constant 0 : i32
      %dma_wait3A_80 = tpu.memref_slice %arg4[%add3A_60, %dma_wait3A_79] : memref<819200x64xf32, #tpu.memory_space<hbm>> -> memref<128x64xf32, #tpu.memory_space<hbm>>
      tpu.wait_dma2 semaphore(%run_scoped3A : memref<!tpu.dma_semaphore, #tpu.memory_space<semaphore_mem>>) src(%arg8 : memref<128x64xf32, #tpu.memory_space<vmem>>) dst(%dma_wait3A_80 : memref<128x64xf32, #tpu.memory_space<hbm>>)
      tpu.yield
    }) : () -> ()
    %dma_wait3A_61 = arith.constant 25472 : i32
    %dma_wait3A_62 = tpu.memref_slice %arg5[%dma_wait3A_61] : memref<25600xi32, #tpu.memory_space<vmem>> -> memref<128xi32, #tpu.memory_space<vmem>>
    %dma_wait3A_63 = arith.constant 0 : i32
    %dma_wait3A_64 = arith.constant 0 : i32
    %dma_wait3A_65 = tpu.memref_slice %arg2[%dma_wait3A_63, %dma_wait3A_64] : memref<1000000x128xf32, #tpu.memory_space<hbm>> -> memref<1000000x128xf32, #tpu.memory_space<hbm>>
    tpu.wait_indirect_dma semaphore(%arg11 : memref<!tpu.dma_semaphore, #tpu.memory_space<semaphore_mem>>) src(%dma_wait3A_65 : memref<1000000x128xf32, #tpu.memory_space<hbm>>) dst(%arg7 : memref<128x128xf32, #tpu.memory_space<vmem>>)
    %scan3A_66 = arith.constant 0 : i32
    %scan3A_67 = arith.constant 128 : i32
    %scan3A_68 = arith.addi %scan3A_66, %scan3A_67 : i32
    %scan3A_69 = arith.constant 1 : i32
    scf.for %scan3A_73 = %scan3A_66 to %scan3A_68 step %scan3A_69  : i32 {
      %mul3A_74 = arith.constant 1 : i32
      %mul3A_75 = arith.muli %scan3A_73, %mul3A_74 : i32
      %add3A_76 = arith.constant 0 : i32
      %add3A_77 = arith.addi %add3A_76, %mul3A_75 : i32
      %get3A = arith.index_cast %add3A_77 : i32 to index
      %get3A_78 = arith.constant 0 : index
      %get3A_79 = tpu.vector_load %arg7[%get3A, %get3A_78] {strides = array<i32>} : memref<128x128xf32, #tpu.memory_space<vmem>>, vector<1x16xf32>,
      %get3A_80 = vector.shape_cast %get3A_79 : vector<1x16xf32> to vector<16xf32>
      %swap3A = arith.index_cast %add3A_77 : i32 to index
      %swap3A_81 = arith.constant 0 : index
      %swap3A_82 = tpu.vector_load %arg9[%swap3A, %swap3A_81] {strides = array<i32>} : memref<128x64xf32, #tpu.memory_space<vmem>>, vector<1x16xf32>,
      %swap3A_83 = vector.shape_cast %swap3A_82 : vector<1x16xf32> to vector<16xf32>
      %swap3A_84 = vector.shape_cast %get3A_80 : vector<16xf32> to vector<1x16xf32>
      tpu.vector_store %arg9[%swap3A, %swap3A_81], %swap3A_84 {strides = array<i32>} : memref<128x64xf32, #tpu.memory_space<vmem>>, vector<1x16xf32>,
      %get3A_85 = arith.index_cast %add3A_77 : i32 to index
      %get3A_86 = arith.constant 16 : index
      %get3A_87 = tpu.vector_load %arg7[%get3A_85, %get3A_86] {strides = array<i32>} : memref<128x128xf32, #tpu.memory_space<vmem>>, vector<1x16xf32>,
      %get3A_88 = vector.shape_cast %get3A_87 : vector<1x16xf32> to vector<16xf32>
      %swap3A_89 = arith.index_cast %add3A_77 : i32 to index
      %swap3A_90 = arith.constant 16 : index
      %swap3A_91 = tpu.vector_load %arg9[%swap3A_89, %swap3A_90] {strides = array<i32>} : memref<128x64xf32, #tpu.memory_space<vmem>>, vector<1x16xf32>,
      %swap3A_92 = vector.shape_cast %swap3A_91 : vector<1x16xf32> to vector<16xf32>
      %swap3A_93 = vector.shape_cast %get3A_88 : vector<16xf32> to vector<1x16xf32>
      tpu.vector_store %arg9[%swap3A_89, %swap3A_90], %swap3A_93 {strides = array<i32>} : memref<128x64xf32, #tpu.memory_space<vmem>>, vector<1x16xf32>,
      %get3A_94 = arith.index_cast %add3A_77 : i32 to index
      %get3A_95 = arith.constant 32 : index
      %get3A_96 = tpu.vector_load %arg7[%get3A_94, %get3A_95] {strides = array<i32>} : memref<128x128xf32, #tpu.memory_space<vmem>>, vector<1x16xf32>,
      %get3A_97 = vector.shape_cast %get3A_96 : vector<1x16xf32> to vector<16xf32>
      %swap3A_98 = arith.index_cast %add3A_77 : i32 to index
      %swap3A_99 = arith.constant 32 : index
      %swap3A_100 = tpu.vector_load %arg9[%swap3A_98, %swap3A_99] {strides = array<i32>} : memref<128x64xf32, #tpu.memory_space<vmem>>, vector<1x16xf32>,
      %swap3A_101 = vector.shape_cast %swap3A_100 : vector<1x16xf32> to vector<16xf32>
      %swap3A_102 = vector.shape_cast %get3A_97 : vector<16xf32> to vector<1x16xf32>
      tpu.vector_store %arg9[%swap3A_98, %swap3A_99], %swap3A_102 {strides = array<i32>} : memref<128x64xf32, #tpu.memory_space<vmem>>, vector<1x16xf32>,
      %get3A_103 = arith.index_cast %add3A_77 : i32 to index
      %get3A_104 = arith.constant 48 : index
      %get3A_105 = tpu.vector_load %arg7[%get3A_103, %get3A_104] {strides = array<i32>} : memref<128x128xf32, #tpu.memory_space<vmem>>, vector<1x16xf32>,
      %get3A_106 = vector.shape_cast %get3A_105 : vector<1x16xf32> to vector<16xf32>
      %swap3A_107 = arith.index_cast %add3A_77 : i32 to index
      %swap3A_108 = arith.constant 48 : index
      %swap3A_109 = tpu.vector_load %arg9[%swap3A_107, %swap3A_108] {strides = array<i32>} : memref<128x64xf32, #tpu.memory_space<vmem>>, vector<1x16xf32>,
      %swap3A_110 = vector.shape_cast %swap3A_109 : vector<1x16xf32> to vector<16xf32>
      %swap3A_111 = vector.shape_cast %get3A_106 : vector<16xf32> to vector<1x16xf32>
      tpu.vector_store %arg9[%swap3A_107, %swap3A_108], %swap3A_111 {strides = array<i32>} : memref<128x64xf32, #tpu.memory_space<vmem>>, vector<1x16xf32>,
    }
    %scan3A_70 = arith.constant 128 : i32
    %add3A_71 = arith.constant 25472 : i32
    %add3A_72 = arith.addi %mul3A_2, %add3A_71 : i32
    "tpu.region"() ({
      %run_scoped3A = tpu.sem_alloc : memref<!tpu.dma_semaphore, #tpu.memory_space<semaphore_mem>>
      %dma_start3A_73 = arith.constant 0 : i32
      %dma_start3A_74 = tpu.memref_slice %arg4[%add3A_72, %dma_start3A_73] : memref<819200x64xf32, #tpu.memory_space<hbm>> -> memref<128x64xf32, #tpu.memory_space<hbm>>
      %dma_start3A_75 = arith.constant 0 : i32
      %dma_start3A_76 = tpu.memref_slice %arg4[%add3A_72, %dma_start3A_75] : memref<819200x64xf32, #tpu.memory_space<hbm>> -> memref<128x64xf32, #tpu.memory_space<hbm>>
      tpu.enqueue_dma source(%arg9 : memref<128x64xf32, #tpu.memory_space<vmem>>) target(%dma_start3A_76 : memref<128x64xf32, #tpu.memory_space<hbm>>) target_semaphore(%run_scoped3A : memref<!tpu.dma_semaphore, #tpu.memory_space<semaphore_mem>>)
      %dma_wait3A_77 = arith.constant 0 : i32
      %dma_wait3A_78 = tpu.memref_slice %arg4[%add3A_72, %dma_wait3A_77] : memref<819200x64xf32, #tpu.memory_space<hbm>> -> memref<128x64xf32, #tpu.memory_space<hbm>>
      %dma_wait3A_79 = arith.constant 0 : i32
      %dma_wait3A_80 = tpu.memref_slice %arg4[%add3A_72, %dma_wait3A_79] : memref<819200x64xf32, #tpu.memory_space<hbm>> -> memref<128x64xf32, #tpu.memory_space<hbm>>
      tpu.wait_dma2 semaphore(%run_scoped3A : memref<!tpu.dma_semaphore, #tpu.memory_space<semaphore_mem>>) src(%arg9 : memref<128x64xf32, #tpu.memory_space<vmem>>) dst(%dma_wait3A_80 : memref<128x64xf32, #tpu.memory_space<hbm>>)
      tpu.yield
    }) : () -> ()
    return
  }
}

</mosaic_0001>

<sc_bundles>
// kernel: kernel.3.cloned.1.call-start
scs
__scs_entry_jumppad:
0x0: {  	(pc) =	sbr.rel $0x88, $3  }
0x1: {  	(tag) =	ssettag $0x0;
	lr =	simm.s32 $0x1  }
0x2: {  	[smem:$0x3F9F] =	sst lr;
	_ =	strace $0xD0000000  }
0x3: {  	_ = 	snop  }
0x4: {  	_ = 	snop  }
0x5: {  	_ = 	snop  }
0x6: {  	_ = 	snop  }
0x7: {  	_ = 	snop  }
__scs_overlays_trampoline_lowered:
0x8: {  	[smem:$0x3FAE] =	sst s0  }
0x9: {  	[smem:$0x3FAF] =	sst s1  }
0xa: {  	[smem:$0x3FB0] =	sst s2  }
0xb: {  	[smem:$0x3FB1] =	sst s3  }
0xc: {  	[smem:$0x3FB2] =	sst s4  }
0xd: {  	[smem:$0x3FB3] =	sst s5  }
0xe: {  	[smem:$0x3FB4] =	sst s6  }
0xf: {  	[smem:$0x3FB5] =	sst s7  }
0x10: {  	[smem:$0x3FB6] =	sst s8  }
0x11: {  	[smem:$0x3FB7] =	sst s9;
	s0 =	simm.s32 @!p0 $0x0  }
0x12: {  	s1 =	sld [smem:$0x3F9D];
	s0 =	simm.s32 @p0 $0x1  }
0x13: {  	[smem:$0x3FB8] =	sst s0;
	s0 =	simm.s32 @!p1 $0x0  }
0x14: {  	s2 =	sld [smem:$0x3F9C];
	s0 =	simm.s32 @p1 $0x1  }
0x15: {  	[smem:$0x3FB9] =	sst s0;
	s0 =	simm.s32 @!p2 $0x0  }
0x16: {  	s3 =	sld [smem:$0x3FDB];
	s0 =	simm.s32 @p2 $0x1  }
0x17: {  	s4 =	simm.s32 $0x1BF5;
	[smem:$0x3FBB] =	sst s0  }
0x18: {  	s0 =	sld [smem:$0x3F9E];
	_ =	swait.ge [sflag:s4], $0x0  }
0x19: {  	s7 =	sld [smem:$0x3F9F]  }
0x1a: {  	s8 =	sadd.s32 $0xFFFFE003, lr  }
0x1b: {  	s9 =	sadd.s32 $0xFFFFFEF7, lr;
	s5 =	simm.s32 $0xFFFFFFFF;
	p2 =	slt.u32 s8, $0xFFFFF086  }
0x1c: {  	p1 =	slt.u32 s9, $0xF7A;
	s5 =	simm.s32 @!p2 $0x0  }
0x1d: {  	s5 =	simm.s32 @p1 $0x1;
	p0 =	seq.s32 s7, s2  }
0x1e: {  	s7 =	smul.u32 @!p0 $0xF7A, s2;
	p2 =	seq.s32 @!p0 s5, $0x0  }
0x1f: {  	s9 =	smul.u32 $0xF7A, s1;
	s8 =	simm.s32 @!p0 $0x1BF5;
	p2 =	por !p2, p0  }
0x20: {  	[sflag:s8] =	ssyncset.s32 @!p0 $0xFFFFF086;
	s6 =	sadd.s32 @!p0 s3, s7;
	s7 =	simm.s32 @!p0 $0x108  }
0x21: {  	s3 =	sadd.s32 s3, s9;
	s6 =	sadd.s32 @!p0 $0x88, s6;
	s7 =	simm.s32 @p2 $0x1082  }
0x22: {  	[simem:s7], [sflag:s8] =	dma.local @!p0 [hbm:s6], $0xF7A  }
0x23: {  	s9 =	sor.u32 $0xD0000000, s2;
	s6 =	simm.s32 $0x108;
	_ =	swait.ge @!p0 [sflag:s8], $0x0  }
0x24: {  	s3 =	sadd.s32 $0x88, s3;
	s6 =	simm.s32 @!p1 $0x1082;
	[sflag:s4] =	ssyncset.s32 $0xFFFFF086  }
0x25: {  	[simem:s6], [sflag:s4] =	dma.local [hbm:s3], $0xF7A  }
0x26: {  	[smem:$0x3F9F] =	sst s1;
	(tag) =	ssettag s2;
	_ =	strace s9  }
0x27: {  	s1 =	sld [smem:$0x3FAF]  }
0x28: {  	s2 =	sld [smem:$0x3FB0]  }
0x29: {  	s4 =	sld [smem:$0x3FB2]  }
0x2a: {  	p0 =	seq.s32 s5, $0x0;
	s5 =	sld [smem:$0x3FB3]  }
0x2b: {  	s6 =	sld [smem:$0x3FB4]  }
0x2c: {  	s7 =	sld [smem:$0x3FB5]  }
0x2d: {  	s3 =	simm.s32 $0x108;
	s8 =	sld [smem:$0x3FB6]  }
0x2e: {  	s3 =	simm.s32 @!p0 $0x1082;
	s9 =	sld [smem:$0x3FB7]  }
0x2f: {  	lr =	sadd.s32 s0, s3;
	s0 =	sld [smem:$0x3FAE]  }
0x30: {  	s3 =	sld [smem:$0x3FB1]  }
0x31: {  	[smem:$0x3FBA] =	sst s10  }
0x32: {  	s10 =	sld [smem:$0x3FB8];
	_ =	sdelay $0x3  }
0x33: {  	p0 =	seq.s32 s10, $0x1;
	s10 =	sld [smem:$0x3FBA];
	_ =	sdelay $0x3  }
0x34: {  	[smem:$0x3FBA] =	sst s10  }
0x35: {  	s10 =	sld [smem:$0x3FB9];
	_ =	sdelay $0x3  }
0x36: {  	p1 =	seq.s32 s10, $0x1;
	s10 =	sld [smem:$0x3FBA];
	_ =	sdelay $0x3  }
0x37: {  	[smem:$0x3FBA] =	sst s10  }
0x38: {  	s10 =	sld [smem:$0x3FBB]  }
0x39: {  	_ = 	snop;
	(pc) =	sbr.ind lr, $3  }
0x3a: {  	_ = 	snop  }
0x3b: {  	_ = 	snop  }
0x3c: {  	p2 =	seq.s32 s10, $0x1;
	s10 =	sld [smem:$0x3FBA]  }
0x3d: {  	_ =	shalt  }
0x3e: {  	_ =	shalt  }
0x3f: {  	_ =	shalt  }
0x40: {  	_ =	shalt  }
0x41: {  	_ =	shalt  }
0x42: {  	_ =	shalt  }
0x43: {  	_ =	shalt  }
0x44: {  	_ =	shalt  }
0x45: {  	_ =	shalt  }
0x46: {  	_ =	shalt  }
0x47: {  	_ =	shalt  }
0x48: {  	_ =	shalt  }
0x49: {  	_ =	shalt  }
0x4a: {  	_ =	shalt  }
0x4b: {  	_ =	shalt  }
0x4c: {  	_ =	shalt  }
0x4d: {  	_ =	shalt  }
0x4e: {  	_ =	shalt  }
0x4f: {  	_ =	shalt  }
0x50: {  	_ =	shalt  }
0x51: {  	_ =	shalt  }
0x52: {  	_ =	shalt  }
0x53: {  	_ =	shalt  }
0x54: {  	_ =	shalt  }
0x55: {  	_ =	shalt  }
0x56: {  	_ =	shalt  }
0x57: {  	_ =	shalt  }
0x58: {  	_ =	shalt  }
0x59: {  	_ =	shalt  }
0x5a: {  	_ =	shalt  }
0x5b: {  	_ =	shalt  }
0x5c: {  	_ =	shalt  }
0x5d: {  	_ =	shalt  }
0x5e: {  	_ =	shalt  }
0x5f: {  	_ =	shalt  }
0x60: {  	_ =	shalt  }
0x61: {  	_ =	shalt  }
0x62: {  	_ =	shalt  }
0x63: {  	_ =	shalt  }
0x64: {  	_ =	shalt  }
0x65: {  	_ =	shalt  }
0x66: {  	_ =	shalt  }
0x67: {  	_ =	shalt  }
0x68: {  	_ =	shalt  }
0x69: {  	_ =	shalt  }
0x6a: {  	_ =	shalt  }
0x6b: {  	_ =	shalt  }
0x6c: {  	_ =	shalt  }
0x6d: {  	_ =	shalt  }
0x6e: {  	_ =	shalt  }
0x6f: {  	_ =	shalt  }
0x70: {  	_ =	shalt  }
0x71: {  	_ =	shalt  }
0x72: {  	_ =	shalt  }
0x73: {  	_ =	shalt  }
0x74: {  	_ =	shalt  }
0x75: {  	_ =	shalt  }
0x76: {  	_ =	shalt  }
0x77: {  	_ =	shalt  }
0x78: {  	_ =	shalt  }
0x79: {  	_ =	shalt  }
0x7a: {  	_ =	shalt  }
0x7b: {  	_ =	shalt  }
0x7c: {  	_ =	shalt  }
0x7d: {  	_ =	shalt  }
0x7e: {  	_ =	shalt  }
0x7f: {  	_ =	shalt  }
0x80: {  	_ =	shalt  }
0x81: {  	_ =	shalt  }
0x82: {  	_ =	shalt  }
0x83: {  	_ =	shalt  }
0x84: {  	_ =	shalt  }
0x85: {  	_ =	shalt  }
0x86: {  	_ =	shalt  }
0x87: {  	_ =	shalt  }
.Lfunc_end0:
.L_simem_size_0:
called_computation.1_lowered:
.L_overlay_start_0:
0x88: {  	s2 =	sld [smem:$0x3FD9]  }
0x89: {  	s3 =	sld [smem:$0x3FFE];
	_ =	sdelay $0x1  }
0x8a: {  	s1 =	srdreg.scid  }
0x8b: {  	s0 =	sand.u32 $0x1, s1  }
0x8c: {  	s17 =	sshll.u32 s0, $0xA;
	s2 =	sadd.s32 s3, s2  }
0x8d: {  	s2 =	sadd.s32 s2, s17  }
0x8e: {  	[smem:$0x3FC6] =	sst s2  }
0x8f: {  	_ = 	snop  }
0x90: {  	s2 =	sld [smem:$0x3FD0];
	(tm) =	ssettm $0x1  }
0x91: {  	s18 =	sld [smem:$0x3FFB];
	_ =	sdelay $0x3  }
0x92: {  	_ =	strace s18  }
0x93: {  	s3 =	sld [smem:$0x3FFC];
	_ =	sdelay $0x3  }
0x94: {  	_ =	strace s3  }
0x95: {  	s3 =	sld [smem:$0x3FFD];
	_ =	sdelay $0x3  }
0x96: {  	_ =	strace s3  }
0x97: {  	_ =	strace $0x8FFFFFFF  }
0x98: {  	s19 =	sld [smem:$0x3FDB];
	_ =	sdelay $0x1  }
0x99: {  	s4 =	simm.s32 $_scs_section_size  }
0x9a: {  	s5 =	simm.s32 $_size__tile_overlayer_lowered;
	s6 =	simm.s32 $_tile_overlayer_lowered  }
0x9b: {  	s22 =	simm.s32 $0x1BFF;
	s21 =	sshll.u32 s6, $0x1;
	s3 =	sadd.s32 s4, s19  }
0x9c: {  	s7 =	simm.s32 $0x0;
	s20 =	sshll.u32 s5, $0x1;
	s5 =	sadd.s32 s21, s3  }
0x9d: {  	[timem:s7], [sflag:s22] =	dma.local [hbm:s5], s20  }
0x9e: {  	_ =	swait.ge [sflag:s22], s20  }
0x9f: {  	s4 =	ssub.s32 $0x0, s20;
	[sflag:s22] =	ssyncset.done $0x0  }
0xa0: {  	[sflag:s22] =	ssyncadd.s32 s4;
	_ =	sdelay $0x1  }
0xa1: {  	s23 =	simm.s32 $0x1B8B  }
0xa2: {  	_ =	swait.ge [sflag:s23], $0x1  }
0xa3: {  	[sflag:s23] =	ssyncset.done $0x0  }
0xa4: {  	s25 =	simm.s32 $0x1B8E;
	s24 =	sld [smem:$0x3FFE];
	[sflag:s23] =	ssyncadd.s32 $0xFFFFFFFF  }
0xa5: {  	s26 =	simm.s32 $execute0_lowered;
	[smem:$0x3FD2] =	sst s25  }
0xa6: {  	s5 =	sshll.u32 s26, $0x1;
	_ =	strace $0x80000046;
	[dreg:$0x1] =	wrdreg $0xFFFFFFFF  }
0xa7: {  	s28 =	simm.s32 $_size_execute0_lowered;
	s3 =	sadd.s32 s3, s5;
	[dreg:$0x0] =	wrdreg $0x0  }
0xa8: {  	s5 =	sshll.u32 s28, $0x1;
	[dreg:$0x2] =	wrdreg s3  }
0xa9: {  	[dreg:$0x3] =	wrdreg s5  }
0xaa: {  	[dreg:$0x4] =	wrdreg $0xC0  }
0xab: {  	_ =	task [dreg:s7], $0x5FFFF  }
0xac: {  	[dreg:$0x1] =	wrdreg $0xFFFFFFFF  }
0xad: {  	[dreg:$0x0] =	wrdreg $0x60  }
0xae: {  	[dreg:$0x2] =	wrdreg s24  }
0xaf: {  	[dreg:$0x3] =	wrdreg s2  }
0xb0: {  	[dreg:$0x4] =	wrdreg $0x9  }
0xb1: {  	_ =	task.clear_ibuf [dreg:s7], $0x5FFFF;
	_ =	strace $0x90000046  }
0xb2: {  	s29 =	simm.s32 $0x9;
	_ =	strace $0x80000048  }
0xb3: {  	_ =	swait.ge [sflag:s29], $0x1  }
0xb4: {  	[sflag:s29] =	ssyncadd.s32 $0xFFFFFFFF  }
0xb5: {  	_ =	strace $0x90000048  }
0xb6: {  	_ =	sfence  }
0xb7: {  	s30 =	sld [smem:$0x0];
	_ =	sdelay $0x2  }
0xb8: {  	s31 =	sshll.u32 s1, $0xD;
	s1 =	sshrl.u32 s1, $0x2  }
0xb9: {  	s3 =	sand.u32 $0x4000, s31;
	s1 =	sadd.s32 s1, s30  }
0xba: {  	s0 =	sor.u32 s3, s0;
	s1 =	sshll.u32 s1, $0x11  }
0xbb: {  	s0 =	sor.u32 s1, s0  }
0xbc: {  	s0 =	sadd.s32 $0x8F2B, s0  }
0xbd: {  	[sflag:s0] =	ssyncadd.remote.s32 $0x1  }
0xbe: {  	_ =	sfence.sel $0xFFFF  }
0xbf: {  	[dreg:$0x0] =	wrdreg $0xFFFFFFFF;
	(pc) =	sbr.abs _section_cstart, $3  }
0xc0: {  	[dreg:$0x1] =	wrdreg $0xFFFFFFFF  }
0xc1: {  	_ =	task.clear_ibuf [dreg:s7], $0x2FFFF;
	_ =	strace $0x9FFFFFFF  }
0xc2: {  	(tm) =	ssettm $0x7FFFFFFF  }
0xc3: {  	_ =	shalt  }
tec
execute0_lowered:
.L_overlay_start_1:
0x0: {  	(tag) =	ssettag $0x1  }
0x1: {  	s4 =	rddreg [dreg:$0x0];
	s1 =	srdreg.scid  }
0x2: {  	s0 =	stileid.u32;
	s5 =	rddreg [dreg:$0x1];
	s2 =	simm.s32 $0x0  }
0x3: {  	s13 =	simm.s32 $0x3;
	s14 =	simm.s32 $0x80;
	s15 =	simm.s32 $0x6400  }
0x4: {  	s16 =	simm.s32 $0xA400;
	s17 =	simm.s32 $0x1;
	s18 =	simm.s32 $0xE400  }
0x5: {  	s19 =	simm.s32 $0x100;
	s20 =	simm.s32 $0x2;
	s21 =	simm.s32 $0x12400  }
0x6: {  	s22 =	simm.s32 $0x180;
	s3 =	sand.u32 $0x1, s1;
	s6 =	sshll.u32 s0, $0x1  }
0x7: {  	s23 =	simm.s32 $0x0;
	[smem:$0x7FF] =	sst s2;
	s6 =	sor.u32 s3, s6  }
0x8: {  	s1 =	rddreg [dreg:$0x2];
	_ =	strace $0x80000047;
	s9 =	smul.u32 $0x6400, s6  }
0x9: {  	s7 =	ssub.s32 $0x2, s3;
	s3 =	sadd.s32 $0xF42E00, s4;
	s8 =	smul.u32 $0x64000, s6  }
0xa: {  	s4 =	sadd.s32 $0xA00, s4;
	s10 =	sshrl.u32 s7, $0x1;
	s11 =	smul.u32 $0x320000, s6  }
0xb: {  	s12 =	ssub.s32 s7, s10;
	s30 =	sshrl.u32 s9, $0x3;
	s6 =	sadd.s32 s4, s8  }
0xc: {  	s31 =	sshrl.u32 s11, $0x3;
	s8 =	sor.u32 $0x100, s9;
	s9 =	sor.u32 $0x180, s9  }
0xd: {  	s12 =	smax.u32 s12, $0x1;
	s5 =	sadd.s32 s5, s30;
	s11 =	sadd.s32 s4, s31  }
0xe: {  	s7 =	sadd.s32 $0x800, s6;
	s10 =	sadd.s32 $0x63000, s11;
	s11 =	sadd.s32 $0x63800, s11  }
.LBB2_1:
0xf: {  	[tilespmem:s2], [sflag:$0x3] =	stream.linear.gather [hbm4b:s5+s2], $0x6400, $0x38;
	[tilespmem:$0x16400] =	vst v63  }
0x10: {  	_ =	swait.ge [sflag:s13], $0x6400  }
0x11: {  	[sflag:s13] =	ssyncset.done $0x0  }
0x12: {  	[sflag:s13] =	ssyncadd.s32 $0xFFFF9C00  }
0x13: {  	[tilespmem:s15], [sflag:$0x1] =	stream.indirect.gather [hbm4b:s3+s14], $0x80, s2, s14, $0xb8;
	[tilespmem:$0x16400] =	vst v63  }
0x14: {  	_ = 	snop  }
0x15: {  	[tilespmem:s16], [sflag:$0x2] =	stream.indirect.gather [hbm4b:s3+s14], $0x80, s14, s14, $0xb8;
	[tilespmem:$0x16400] =	vst v63  }
0x16: {  	_ =	swait.ge [sflag:s17], $0x4000  }
0x17: {  	[sflag:s17] =	ssyncset.done $0x0  }
0x18: {  	s24 =	simm.s32 $0x0;
	[sflag:s17] =	ssyncadd.s32 $0xFFFFC000  }
0x19: {  	v0 =	vld [tilespmem:s24+$0x6430]  }
0x1a: {  	v1 =	vld [tilespmem:s24+$0x6400]  }
0x1b: {  	v2 =	vld [tilespmem:s24+$0x6410]  }
0x1c: {  	s25 =	simm.s32 $0x200;
	v3 =	vld [tilespmem:s24+$0x6420]  }
.LBB2_2:
0x1d: {  	p0 =	sne.s32 s25, $0xFE00  }
.Ltmp0:
0x1e: {  	s26 =	sshra.s32 s25, $0x2;
	s25 =	sadd.s32 $0x200, s25;
	[tilespmem:s24+$0xE430] =	vst v0;
	(pc) =	sbr.rel @p0 .LBB2_2-.Ltmp0, $4  }
0x1f: {  	v0 =	vld [tilespmem:s26+$0x6430];
	[tilespmem:s24+$0xE400] =	vst v1  }
0x20: {  	v1 =	vld [tilespmem:s26+$0x6400];
	[tilespmem:s24+$0xE410] =	vst v2  }
0x21: {  	v2 =	vld [tilespmem:s26+$0x6410];
	[tilespmem:s24+$0xE420] =	vst v3;
	s24 =	smov.u32 s26  }
0x22: {  	v3 =	vld [tilespmem:s24+$0x6420]  }
0x23: {  	_ = 	snop  }
0x24: {  	[tilespmem:s24+$0xE430] =	vst v0  }
0x25: {  	[tilespmem:s24+$0xE400] =	vst v1  }
0x26: {  	[tilespmem:s24+$0xE410] =	vst v2  }
0x27: {  	s31 =	simm.s32 $0x0;
	[tilespmem:s24+$0xE420] =	vst v3  }
0x28: {  	[hbm4b:s6+s31] =	stream.linear.scatter [tilespmem:s18], [sflag:$0x3], $0x4000, $0x38;
	[tilespmem:$0x16400] =	vst v63  }
0x29: {  	_ =	swait.ge [sflag:s13], $0x4000  }
0x2a: {  	[sflag:s13] =	ssyncset.done $0x0  }
0x2b: {  	[sflag:s13] =	ssyncadd.s32 $0xFFFFC000  }
0x2c: {  	[tilespmem:s15], [sflag:$0x1] =	stream.indirect.gather [hbm4b:s3+s14], $0x80, s19, s14, $0xb8;
	[tilespmem:$0x16400] =	vst v63  }
0x2d: {  	_ =	swait.ge [sflag:s20], $0x4000  }
0x2e: {  	[sflag:s20] =	ssyncset.done $0x0  }
0x2f: {  	s24 =	simm.s32 $0x0;
	[sflag:s20] =	ssyncadd.s32 $0xFFFFC000  }
0x30: {  	v0 =	vld [tilespmem:s24+$0xA430]  }
0x31: {  	v1 =	vld [tilespmem:s24+$0xA400]  }
0x32: {  	v2 =	vld [tilespmem:s24+$0xA410]  }
0x33: {  	s25 =	simm.s32 $0x200;
	v3 =	vld [tilespmem:s24+$0xA420]  }
.LBB2_4:
0x34: {  	p0 =	sne.s32 s25, $0xFE00  }
.Ltmp1:
0x35: {  	s26 =	sshra.s32 s25, $0x2;
	s25 =	sadd.s32 $0x200, s25;
	[tilespmem:s24+$0x12430] =	vst v0;
	(pc) =	sbr.rel @p0 .LBB2_4-.Ltmp1, $4  }
0x36: {  	v0 =	vld [tilespmem:s26+$0xA430];
	[tilespmem:s24+$0x12400] =	vst v1  }
0x37: {  	v1 =	vld [tilespmem:s26+$0xA400];
	[tilespmem:s24+$0x12410] =	vst v2  }
0x38: {  	v2 =	vld [tilespmem:s26+$0xA410];
	[tilespmem:s24+$0x12420] =	vst v3;
	s24 =	smov.u32 s26  }
0x39: {  	v3 =	vld [tilespmem:s24+$0xA420]  }
0x3a: {  	_ = 	snop  }
0x3b: {  	[tilespmem:s24+$0x12430] =	vst v0  }
0x3c: {  	[tilespmem:s24+$0x12400] =	vst v1  }
0x3d: {  	[tilespmem:s24+$0x12410] =	vst v2  }
0x3e: {  	[tilespmem:s24+$0x12420] =	vst v3;
	s24 =	simm.s32 $0x0  }
0x3f: {  	[hbm4b:s7+s24] =	stream.linear.scatter [tilespmem:s21], [sflag:$0x3], $0x4000, $0x38;
	[tilespmem:$0x16400] =	vst v63  }
0x40: {  	_ =	swait.ge [sflag:s13], $0x4000  }
0x41: {  	[sflag:s13] =	ssyncset.done $0x0  }
0x42: {  	[sflag:s13] =	ssyncadd.s32 $0xFFFFC000  }
0x43: {  	[tilespmem:s16], [sflag:$0x2] =	stream.indirect.gather [hbm4b:s3+s14], $0x80, s22, s14, $0xb8;
	[tilespmem:$0x16400] =	vst v63  }
.LBB2_6:
0x44: {  	_ =	swait.ge [sflag:s17], $0x4000  }
0x45: {  	[sflag:s17] =	ssyncset.done $0x0  }
0x46: {  	s26 =	simm.s32 $0x0;
	[sflag:s17] =	ssyncadd.s32 $0xFFFFC000  }
0x47: {  	v3 =	vld [tilespmem:s26+$0x6430]  }
0x48: {  	v1 =	vld [tilespmem:s26+$0x6400]  }
0x49: {  	v0 =	vld [tilespmem:s26+$0x6410]  }
0x4a: {  	s25 =	simm.s32 $0x200;
	v2 =	vld [tilespmem:s26+$0x6420]  }
.LBB2_7:
0x4b: {  	p0 =	sne.s32 s25, $0xFE00  }
.Ltmp2:
0x4c: {  	s28 =	sshra.s32 s25, $0x2;
	s25 =	sadd.s32 $0x200, s25;
	[tilespmem:s26+$0xE430] =	vst v3;
	(pc) =	sbr.rel @p0 .LBB2_7-.Ltmp2, $4  }
0x4d: {  	v3 =	vld [tilespmem:s28+$0x6430];
	[tilespmem:s26+$0xE400] =	vst v1  }
0x4e: {  	v1 =	vld [tilespmem:s28+$0x6400];
	[tilespmem:s26+$0xE410] =	vst v0  }
0x4f: {  	v0 =	vld [tilespmem:s28+$0x6410];
	[tilespmem:s26+$0xE420] =	vst v2;
	s26 =	smov.u32 s28  }
0x50: {  	v2 =	vld [tilespmem:s26+$0x6420]  }
0x51: {  	_ = 	snop  }
0x52: {  	s25 =	sshll.u32 s24, $0x8;
	[tilespmem:s26+$0xE430] =	vst v3  }
0x53: {  	s28 =	sadd.s32 s25, s8;
	[tilespmem:s26+$0xE400] =	vst v1  }
0x54: {  	s28 =	sshll.u32 s28, $0x4;
	[tilespmem:s26+$0xE410] =	vst v0  }
0x55: {  	s31 =	sadd.s32 s4, s28;
	s28 =	simm.s32 $0x0;
	[tilespmem:s26+$0xE420] =	vst v2  }
0x56: {  	[hbm4b:s31+s28] =	stream.linear.scatter [tilespmem:s18], [sflag:$0x3], $0x4000, $0x38;
	[tilespmem:$0x16400] =	vst v63  }
0x57: {  	_ =	swait.ge [sflag:s13], $0x4000  }
0x58: {  	s26 =	sand.u32 $0x3FFFFF00, s25;
	[sflag:s13] =	ssyncset.done $0x0  }
0x59: {  	s28 =	sadd.s32 $0x200, s26;
	[sflag:s13] =	ssyncadd.s32 $0xFFFFC000  }
0x5a: {  	[tilespmem:s15], [sflag:$0x1] =	stream.indirect.gather [hbm4b:s3+s14], $0x80, s28, s14, $0xb8;
	[tilespmem:$0x16400] =	vst v63  }
0x5b: {  	_ =	swait.ge [sflag:s20], $0x4000  }
0x5c: {  	[sflag:s20] =	ssyncset.done $0x0  }
0x5d: {  	s28 =	simm.s32 $0x0;
	[sflag:s20] =	ssyncadd.s32 $0xFFFFC000  }
0x5e: {  	v1 =	vld [tilespmem:s28+$0xA430]  }
0x5f: {  	v2 =	vld [tilespmem:s28+$0xA400]  }
0x60: {  	v0 =	vld [tilespmem:s28+$0xA410]  }
0x61: {  	s29 =	simm.s32 $0x200;
	v3 =	vld [tilespmem:s28+$0xA420]  }
.LBB2_9:
0x62: {  	p0 =	sne.s32 s29, $0xFE00  }
.Ltmp3:
0x63: {  	s30 =	sshra.s32 s29, $0x2;
	s29 =	sadd.s32 $0x200, s29;
	[tilespmem:s28+$0x12430] =	vst v1;
	(pc) =	sbr.rel @p0 .LBB2_9-.Ltmp3, $4  }
0x64: {  	v1 =	vld [tilespmem:s30+$0xA430];
	[tilespmem:s28+$0x12400] =	vst v2  }
0x65: {  	v2 =	vld [tilespmem:s30+$0xA400];
	[tilespmem:s28+$0x12410] =	vst v0  }
0x66: {  	v0 =	vld [tilespmem:s30+$0xA410];
	[tilespmem:s28+$0x12420] =	vst v3;
	s28 =	smov.u32 s30  }
0x67: {  	v3 =	vld [tilespmem:s28+$0xA420]  }
0x68: {  	_ = 	snop  }
0x69: {  	[tilespmem:s28+$0x12430] =	vst v1  }
0x6a: {  	s25 =	sadd.s32 s25, s9;
	[tilespmem:s28+$0x12400] =	vst v2  }
0x6b: {  	s24 =	sadd.s32 $0x1, s24;
	s25 =	sshll.u32 s25, $0x4;
	[tilespmem:s28+$0x12410] =	vst v0  }
0x6c: {  	p0 =	sne.s32 s24, $0x62;
	s25 =	sadd.s32 s4, s25;
	[tilespmem:s28+$0x12420] =	vst v3  }
0x6d: {  	[hbm4b:s25+s2] =	stream.linear.scatter [tilespmem:s21], [sflag:$0x3], $0x4000, $0x38;
	[tilespmem:$0x16400] =	vst v63  }
.Ltmp4:
0x6e: {  	_ = 	snop;
	(pc) =	sbr.rel @p0 .LBB2_6-.Ltmp4, $4  }
0x6f: {  	_ =	swait.ge [sflag:s13], $0x4000  }
0x70: {  	[sflag:s13] =	ssyncset.done $0x0  }
0x71: {  	s31 =	sadd.s32 $0x280, s26;
	[sflag:s13] =	ssyncadd.s32 $0xFFFFC000  }
0x72: {  	[tilespmem:s16], [sflag:$0x2] =	stream.indirect.gather [hbm4b:s3+s14], $0x80, s31, s14, $0xb8;
	[tilespmem:$0x16400] =	vst v63  }
0x73: {  	_ =	swait.ge [sflag:s17], $0x4000  }
0x74: {  	[sflag:s17] =	ssyncset.done $0x0  }
0x75: {  	s24 =	simm.s32 $0x0;
	[sflag:s17] =	ssyncadd.s32 $0xFFFFC000  }
0x76: {  	v0 =	vld [tilespmem:s24+$0x6430]  }
0x77: {  	v1 =	vld [tilespmem:s24+$0x6400]  }
0x78: {  	v2 =	vld [tilespmem:s24+$0x6410]  }
0x79: {  	s25 =	simm.s32 $0x200;
	v3 =	vld [tilespmem:s24+$0x6420]  }
.LBB2_12:
0x7a: {  	p0 =	sne.s32 s25, $0xFE00  }
.Ltmp5:
0x7b: {  	s26 =	sshra.s32 s25, $0x2;
	s25 =	sadd.s32 $0x200, s25;
	[tilespmem:s24+$0xE430] =	vst v0;
	(pc) =	sbr.rel @p0 .LBB2_12-.Ltmp5, $4  }
0x7c: {  	v0 =	vld [tilespmem:s26+$0x6430];
	[tilespmem:s24+$0xE400] =	vst v1  }
0x7d: {  	v1 =	vld [tilespmem:s26+$0x6400];
	[tilespmem:s24+$0xE410] =	vst v2  }
0x7e: {  	v2 =	vld [tilespmem:s26+$0x6410];
	[tilespmem:s24+$0xE420] =	vst v3;
	s24 =	smov.u32 s26  }
0x7f: {  	v3 =	vld [tilespmem:s24+$0x6420]  }
0x80: {  	_ = 	snop  }
0x81: {  	[tilespmem:s24+$0xE430] =	vst v0  }
0x82: {  	[tilespmem:s24+$0xE400] =	vst v1  }
0x83: {  	[tilespmem:s24+$0xE410] =	vst v2  }
0x84: {  	s31 =	simm.s32 $0x0;
	[tilespmem:s24+$0xE420] =	vst v3  }
0x85: {  	[hbm4b:s10+s31] =	stream.linear.scatter [tilespmem:s18], [sflag:$0x3], $0x4000, $0x38;
	[tilespmem:$0x16400] =	vst v63  }
0x86: {  	_ =	swait.ge [sflag:s13], $0x4000  }
0x87: {  	[sflag:s13] =	ssyncset.done $0x0  }
0x88: {  	[sflag:s13] =	ssyncadd.s32 $0xFFFFC000  }
0x89: {  	_ =	swait.ge [sflag:s20], $0x4000  }
0x8a: {  	[sflag:s20] =	ssyncset.done $0x0  }
0x8b: {  	s24 =	simm.s32 $0x0;
	[sflag:s20] =	ssyncadd.s32 $0xFFFFC000  }
0x8c: {  	v0 =	vld [tilespmem:s24+$0xA430]  }
0x8d: {  	v1 =	vld [tilespmem:s24+$0xA400]  }
0x8e: {  	v2 =	vld [tilespmem:s24+$0xA410]  }
0x8f: {  	s25 =	simm.s32 $0x200;
	v3 =	vld [tilespmem:s24+$0xA420]  }
.LBB2_14:
0x90: {  	p0 =	sne.s32 s25, $0xFE00  }
.Ltmp6:
0x91: {  	s26 =	sshra.s32 s25, $0x2;
	s25 =	sadd.s32 $0x200, s25;
	[tilespmem:s24+$0x12430] =	vst v0;
	(pc) =	sbr.rel @p0 .LBB2_14-.Ltmp6, $4  }
0x92: {  	v0 =	vld [tilespmem:s26+$0xA430];
	[tilespmem:s24+$0x12400] =	vst v1  }
0x93: {  	v1 =	vld [tilespmem:s26+$0xA400];
	[tilespmem:s24+$0x12410] =	vst v2  }
0x94: {  	v2 =	vld [tilespmem:s26+$0xA410];
	[tilespmem:s24+$0x12420] =	vst v3;
	s24 =	smov.u32 s26  }
0x95: {  	v3 =	vld [tilespmem:s24+$0xA420]  }
0x96: {  	_ = 	snop  }
0x97: {  	[tilespmem:s24+$0x12430] =	vst v0  }
0x98: {  	s23 =	sadd.s32 $0x1, s23;
	[tilespmem:s24+$0x12400] =	vst v1  }
0x99: {  	p0 =	sne.s32 s23, s12;
	[tilespmem:s24+$0x12410] =	vst v2  }
.Ltmp7:
0x9a: {  	[tilespmem:s24+$0x12420] =	vst v3;
	(pc) =	sbr.rel @p0 .LBB2_1-.Ltmp7, $4  }
0x9b: {  	[hbm4b:s11+s2] =	stream.linear.scatter [tilespmem:s21], [sflag:$0x3], $0x4000, $0x38;
	[tilespmem:$0x16400] =	vst v63  }
0x9c: {  	_ =	swait.ge [sflag:s13], $0x4000  }
0x9d: {  	[sflag:s13] =	ssyncset.done $0x0  }
0x9e: {  	[sflag:s13] =	ssyncadd.s32 $0xFFFFC000  }
0x9f: {  	_ =	sfence.sel $0x180000  }
0xa0: {  	[bflag:$0x0] =	sbarrier.arrive $0xFFFF  }
0xa1: {  	p0 =	sne.s32 s0, $0x0;
	_ =	strace $0x90000047  }
0xa2: {  	s0 =	sadd.s32 @!p0 $0x100000, s1;
	[bflag:$0x2] =	sbarrier.arrive $0xFFFF  }
0xa3: {  	[sflag:s0] =	ssyncadd.tile.s32 @!p0 $0x1;
	_ =	shalt  }
.Lfunc_end2:
_tile_overlayer_lowered:
.L_overlay_start_2:
0xa4: {  	(tag) =	ssettag $0x2  }
0xa5: {  	s0 =	rddreg [dreg:$0x0];
	s2 =	stileid.u32  }
0xa6: {  	s1 =	rddreg [dreg:$0x1];
	p0 =	sne.s32 s2, $0x0  }
0xa7: {  	s3 =	rddreg [dreg:$0x2];
	[bflag:$0x3] =	sbarrier.arrive $0xFFFF;
	s2 =	simm.s32 @!p0 $0x1C03  }
0xa8: {  	[timem:s3], [sflag:s2] =	dma.local @!p0 [hbm:s0], s1  }
0xa9: {  	s0 =	simm.s32 @!p0 $0x3  }
0xaa: {  	_ =	swait.ge @!p0 [sflag:s0], s1  }
0xab: {  	s1 =	ssub.s32 @!p0 $0x0, s1;
	[sflag:s0] =	ssyncset.done @!p0 $0x0  }
0xac: {  	[sflag:s0] =	ssyncadd.s32 @!p0 s1  }
0xad: {  	[bflag:$0x3] =	sbarrier.arrive $0xFFFF  }
0xae: {  	_ =	shalt  }

// kernel: sparse-core-data-format-call.cloned.1.call-start
scs
called_computation_lowered:
.L_overlay_start_0:
0x0: {  	s2 =	sld [smem:$0x3FD9]  }
0x1: {  	s3 =	sld [smem:$0x3FFE];
	_ =	sdelay $0x1  }
0x2: {  	s1 =	srdreg.scid  }
0x3: {  	s0 =	sand.u32 $0x1, s1  }
0x4: {  	s18 =	sshll.u32 s0, $0xA;
	s2 =	sadd.s32 s3, s2  }
0x5: {  	s2 =	sadd.s32 s2, s18  }
0x6: {  	[smem:$0x3FC6] =	sst s2  }
0x7: {  	_ = 	snop  }
0x8: {  	s2 =	sld [smem:$0x3FD0];
	(tm) =	ssettm $0x1  }
0x9: {  	s19 =	sld [smem:$0x3FFB];
	_ =	sdelay $0x3  }
0xa: {  	_ =	strace s19  }
0xb: {  	s3 =	sld [smem:$0x3FFC];
	_ =	sdelay $0x3  }
0xc: {  	_ =	strace s3  }
0xd: {  	s3 =	sld [smem:$0x3FFD];
	_ =	sdelay $0x3  }
0xe: {  	_ =	strace s3  }
0xf: {  	_ =	strace $0x8FFFFFFF  }
0x10: {  	s20 =	sld [smem:$0x3FDB];
	_ =	sdelay $0x1  }
0x11: {  	s4 =	simm.s32 $_scs_section_size  }
0x12: {  	s5 =	simm.s32 $_size__tile_overlayer_lowered;
	s6 =	simm.s32 $_tile_overlayer_lowered  }
0x13: {  	s23 =	simm.s32 $0x1BFF;
	s22 =	sshll.u32 s6, $0x1;
	s3 =	sadd.s32 s4, s20  }
0x14: {  	s7 =	simm.s32 $0x0;
	s21 =	sshll.u32 s5, $0x1;
	s5 =	sadd.s32 s22, s3  }
0x15: {  	[timem:s7], [sflag:s23] =	dma.local [hbm:s5], s21  }
0x16: {  	_ =	swait.ge [sflag:s23], s21  }
0x17: {  	s4 =	ssub.s32 $0x0, s21;
	[sflag:s23] =	ssyncset.done $0x0  }
0x18: {  	[sflag:s23] =	ssyncadd.s32 s4;
	_ =	sdelay $0x1  }
0x19: {  	s24 =	simm.s32 $0x1B8B  }
0x1a: {  	_ =	swait.ge [sflag:s24], $0x1  }
0x1b: {  	[sflag:s24] =	ssyncset.done $0x0  }
0x1c: {  	s26 =	simm.s32 $0x1B8E;
	s25 =	sld [smem:$0x3FFE];
	[sflag:s24] =	ssyncadd.s32 $0xFFFFFFFF  }
0x1d: {  	s27 =	simm.s32 $execute0_lowered;
	[smem:$0x3FD2] =	sst s26  }
0x1e: {  	s5 =	sshll.u32 s27, $0x1;
	_ =	strace $0x80000049;
	[dreg:$0x1] =	wrdreg $0xFFFFFFFF  }
0x1f: {  	s28 =	simm.s32 $_size_execute0_lowered;
	s3 =	sadd.s32 s3, s5;
	[dreg:$0x0] =	wrdreg $0x0  }
0x20: {  	s5 =	sshll.u32 s28, $0x1;
	[dreg:$0x2] =	wrdreg s3  }
0x21: {  	[dreg:$0x3] =	wrdreg s5  }
0x22: {  	[dreg:$0x4] =	wrdreg $0xC0  }
0x23: {  	_ =	task [dreg:s7], $0x5FFFF  }
0x24: {  	[dreg:$0x1] =	wrdreg $0xFFFFFFFF  }
0x25: {  	[dreg:$0x0] =	wrdreg $0x60  }
0x26: {  	[dreg:$0x2] =	wrdreg s25  }
0x27: {  	[dreg:$0x3] =	wrdreg s2  }
0x28: {  	[dreg:$0x4] =	wrdreg $0x9  }
0x29: {  	_ =	task.clear_ibuf [dreg:s7], $0x5FFFF;
	_ =	strace $0x90000049  }
0x2a: {  	s29 =	simm.s32 $0x9;
	_ =	strace $0x8000004B  }
0x2b: {  	_ =	swait.ge [sflag:s29], $0x1  }
0x2c: {  	[sflag:s29] =	ssyncadd.s32 $0xFFFFFFFF  }
0x2d: {  	_ =	strace $0x9000004B  }
0x2e: {  	_ =	sfence  }
0x2f: {  	s30 =	sld [smem:$0x0];
	_ =	sdelay $0x2  }
0x30: {  	s31 =	sshll.u32 s1, $0xD;
	s1 =	sshrl.u32 s1, $0x2  }
0x31: {  	s3 =	sand.u32 $0x4000, s31;
	s1 =	sadd.s32 s1, s30  }
0x32: {  	s0 =	sor.u32 s3, s0;
	s1 =	sshll.u32 s1, $0x11  }
0x33: {  	s0 =	sor.u32 s1, s0  }
0x34: {  	s0 =	sadd.s32 $0x8F2B, s0  }
0x35: {  	[sflag:s0] =	ssyncadd.remote.s32 $0x1  }
0x36: {  	_ =	sfence.sel $0xFFFF  }
0x37: {  	[dreg:$0x0] =	wrdreg $0xFFFFFFFF;
	(pc) =	sbr.abs _section_cstart, $3  }
0x38: {  	[dreg:$0x1] =	wrdreg $0xFFFFFFFF  }
0x39: {  	_ =	task.clear_ibuf [dreg:s7], $0x2FFFF;
	_ =	strace $0x9FFFFFFF  }
0x3a: {  	(tm) =	ssettm $0x7FFFFFFF  }
0x3b: {  	_ =	shalt  }
tec
execute0_lowered:
.L_overlay_start_1:
0x0: {  	(tag) =	ssettag $0x1  }
0x1: {  	s0 =	srdreg.scid  }
0x2: {  	s1 =	sshll.u32 s0, $0x4  }
0x3: {  	s0 =	stileid.u32;
	s1 =	sand.u32 $0x10, s1  }
0x4: {  	s1 =	sor.u32 s0, s1  }
0x5: {  	s6 =	rddreg [dreg:$0x0];
	s4 =	simm.s32 $0x1;
	s2 =	sshll.u32 s1, $0x7  }
0x6: {  	s7 =	simm.s32 $0x2;
	s12 =	simm.s32 $0x0;
	s1 =	ssub.s32 $0x1000, s2  }
0x7: {  	s8 =	simm.s32 $0x8000;
	s13 =	simm.s32 $0x0;
	s3 =	sand.u32 $0xF80, s1  }
0x8: {  	s9 =	simm.s32 $0x0;
	s5 =	sshrl.u32 s1, $0xC;
	p0 =	sne.s32 s3, $0x0  }
.Ltmp0:
0x9: {  	s1 =	rddreg [dreg:$0x2];
	s4 =	simm.s32 @!p0 $0x0;
	(pc) =	sbr.rel .LBB1_1-.Ltmp0, $4  }
0xa: {  	s11 =	simm.s32 $0x0;
	s3 =	rddreg [dreg:$0x1];
	s5 =	sadd.s32 s4, s5  }
0xb: {  	_ =	strace $0x8000004A;
	s4 =	simm.s32 $0x1;
	s5 =	smul.u32 $0xC8, s5  }
0xc: {  	s6 =	sadd.s32 $0xA00, s6;
	s10 =	smov.u32 s2;
	[sflag:s4] =	ssyncpa.u1 $0x0  }
0xd: {  	p0 =	por $0x0, $0x0;
	[sflag:s7] =	ssyncpa.u1 $0x0;
	s7 =	sor.u32 $0x1, s5  }
.LBB1_4:
0xe: {  	s16 =	sshll.u32 s13, $0x3;
	s17 =	sand.u32 $0x78, s13  }
0xf: {  	s30 =	sand.u32 $0x7E00, s13;
	s12 =	sshll.u32 s12, $0xF;
	s16 =	sand.u32 $0xC00, s16  }
0x10: {  	[tilespmem:s15+$0x810 ss:$0x81] =	vst.msk $0xffff, v2;
	s31 =	sand.u32 $0x7, s13;
	s16 =	sor.u32 s17, s16;
	s17 =	sadd.s32 s3, s30  }
0x11: {  	[tilespmem:s15+$0x1020 ss:$0x81] =	vst.msk $0xffff, v0;
	s13 =	sshll.u32 s31, $0x12;
	s12 =	sadd.s32 s12, s17;
	s16 =	sshrl.u32 s16, $0x3  }
0x12: {  	[tilespmem:s15+$0x0 ss:$0x81] =	vst.msk $0xffff, v1;
	s13 =	sor.u32 $0x400, s13;
	s12 =	sadd.s32 s16, s12  }
0x13: {  	[hbm4b:s12+s13] =	stream.strided.scatter [tilespmem:s14], [sflag:$0x2], $0x2000, s8, s13, $0x20;
	[tilespmem:$0x8080] =	vst v63  }
.LBB1_5:
0x14: {  	s14 =	sadd.s32 $0x1, s9  }
0x15: {  	s12 =	sadd.s32 $0x1000, s10;
	s16 =	smov.u32 s10;
	p2 =	sgt.s32 s14, $0xC7  }
0x16: {  	s16 =	smov.u32 @p2 s12  }
0x17: {  	s14 =	simm.s32 @p2 $0x0;
	p2 =	sgt.s32 s16, $0xFFF  }
0x18: {  	s16 =	smov.u32 @p2 s2;
	p2 =	sne.s32 s11, s7  }
.Ltmp1:
0x19: {  	p1 =	slt.u32 s11, $0x2;
	(pc) =	sbr.rel @!p2 .LBB1_6-.Ltmp1, $4  }
0x1a: {  	s15 =	simm.s32 @!p1 $0x2  }
0x1b: {  	s13 =	smov.u32 s10;
	p0 =	por !p0, !p0;
	_ =	swait.ge @!p1 [sflag:s15], $0x2000  }
0x1c: {  	s12 =	smov.u32 s9;
	[sflag:s15] =	ssyncset.done @!p1 $0x0;
	s9 =	smov.u32 s14  }
0x1d: {  	s11 =	sadd.s32 $0x1, s11;
	[sflag:s15] =	ssyncadd.s32 @!p1 $0xFFFFE000;
	s10 =	smov.u32 s16  }
.LBB1_1:
0x1e: {  	p1 =	sge.u32 s11, s5  }
0x1f: {  	s14 =	sand.u32 @!p1 $0x1FFFFFF, s9  }
0x20: {  	s15 =	smulhi.u32 @!p1 $0x147AE15, s14;
	_ =	sdelay $0x1  }
0x21: {  	s15 =	smul.u32 @!p1 $0xC8, s15  }
0x22: {  	s16 =	sxor.u32 @!p1 $0xFFFFFFFF, s11;
	s17 =	smul.u32 @!p1 $0xC80, s10  }
0x23: {  	s31 =	sadd.s32 $0xFFFFFFFF, s11;
	s16 =	sshll.u32 @!p1 s16, $0xD;
	s14 =	ssub.s32 @!p1 s14, s15  }
0x24: {  	s15 =	sand.u32 @!p1 $0x2000, s16;
	s16 =	sadd.s32 @!p1 s6, s17;
	s14 =	sshll.u32 @!p1 s14, $0x4  }
0x25: {  	s17 =	simm.s32 @!p1 $0x6400;
	s14 =	sadd.s32 @!p1 s14, s16;
	s16 =	simm.s32 @!p1 $0x40  }
0x26: {  	[tilespmem:s15], [sflag:$0x1] =	stream.strided.gather @!p1 [hbm4b:s14+s16], $0x2000, s17, s16, $0x38;
	[tilespmem:$0x8080] =	vst v63  }
0x27: {  	p1 =	sge.u32 s31, s5  }
.Ltmp2:
0x28: {  	_ = 	snop;
	(pc) =	sbr.rel @p1 .LBB1_5-.Ltmp2, $1  }
0x29: {  	_ =	sdelay $0x3  }
0x2a: {  	s14 =	simm.s32 $0x1  }
0x2b: {  	_ =	swait.ge [sflag:s4], $0x2000;
	s14 =	simm.s32 @!p0 $0x0  }
0x2c: {  	[sflag:s4] =	ssyncset.done $0x0;
	s15 =	sshll.u32 s14, $0xD  }
0x2d: {  	[sflag:s4] =	ssyncadd.s32 $0xFFFFE000;
	s18 =	sor.u32 $0x20, s15  }
0x2e: {  	s14 =	smul.u32 $0x8100, s14;
	v3 =	vld [tilespmem:s18+$0x10]  }
0x2f: {  	s30 =	sand.u32 $0x1, s11;
	v2 =	vld [tilespmem:s18+$0xFFFFFFF0]  }
0x30: {  	s15 =	smul.u32 $0x8100, s30;
	s14 =	sshrl.u32 s14, $0x2;
	v0 =	vld [tilespmem:s18+$0x0]  }
0x31: {  	v1 =	vld [tilespmem:s18+$0xFFFFFFE0];
	s16 =	sor.u32 $0x4000, s14  }
0x32: {  	s31 =	sshrl.u32 s15, $0x2;
	s15 =	sadd.s32 $0x0, s16  }
0x33: {  	s17 =	simm.s32 $0x4;
	s18 =	sadd.s32 $0x40, s18;
	s14 =	sor.u32 $0x4000, s31;
	[tilespmem:s15+$0x1830 ss:$0x81] =	vst.msk $0xffff, v3  }
.LBB1_3:
0x34: {  	v3 =	vld [tilespmem:s18+$0x10];
	p1 =	sne.s32 s17, $0x1FC;
	[tilespmem:s15+$0x810 ss:$0x81] =	vst.msk $0xffff, v2;
	s19 =	smov.u32 s17;
	s17 =	sadd.s32 $0x4, s17  }
.Ltmp3:
0x35: {  	v2 =	vld [tilespmem:s18+$0xFFFFFFF0];
	[tilespmem:s15+$0x1020 ss:$0x81] =	vst.msk $0xffff, v0;
	(pc) =	sbr.rel @p1 .LBB1_3-.Ltmp3, $4  }
0x36: {  	v0 =	vld [tilespmem:s18+$0x0];
	[tilespmem:s15+$0x0 ss:$0x81] =	vst.msk $0xffff, v1  }
0x37: {  	s15 =	sshra.s32 s19, $0x2;
	v1 =	vld [tilespmem:s18+$0xFFFFFFE0]  }
0x38: {  	s15 =	sadd.s32 s15, s16  }
0x39: {  	s18 =	sadd.s32 $0x40, s18;
	[tilespmem:s15+$0x1830 ss:$0x81] =	vst.msk $0xffff, v3  }
.Ltmp4:
0x3a: {  	_ = 	snop;
	(pc) =	sbr.rel .LBB1_4-.Ltmp4, $1  }
0x3b: {  	_ =	sdelay $0x3  }
.LBB1_6:
0x3c: {  	_ =	sfence.sel $0x180000  }
0x3d: {  	s2 =	simm.s32 $0x1;
	[bflag:$0x0] =	sbarrier.arrive $0xFFFF  }
0x3e: {  	s31 =	simm.s32 $0x2;
	[sflag:s2] =	ssyncpa.u1 $0x1  }
0x3f: {  	[sflag:s31] =	ssyncpa.u1 $0x1  }
0x40: {  	p0 =	sne.s32 s0, $0x0;
	_ =	strace $0x9000004A  }
0x41: {  	s0 =	sadd.s32 @!p0 $0x100000, s1;
	[bflag:$0x2] =	sbarrier.arrive $0xFFFF  }
0x42: {  	[sflag:s0] =	ssyncadd.tile.s32 @!p0 $0x1;
	_ =	shalt  }
.Lfunc_end1:
_tile_overlayer_lowered:
.L_overlay_start_2:
0x43: {  	(tag) =	ssettag $0x2  }
0x44: {  	s0 =	rddreg [dreg:$0x0];
	s2 =	stileid.u32  }
0x45: {  	s1 =	rddreg [dreg:$0x1];
	p0 =	sne.s32 s2, $0x0  }
0x46: {  	s3 =	rddreg [dreg:$0x2];
	[bflag:$0x3] =	sbarrier.arrive $0xFFFF;
	s2 =	simm.s32 @!p0 $0x1C01  }
0x47: {  	[timem:s3], [sflag:s2] =	dma.local @!p0 [hbm:s0], s1  }
0x48: {  	s0 =	simm.s32 @!p0 $0x1  }
0x49: {  	_ =	swait.ge @!p0 [sflag:s0], s1  }
0x4a: {  	s1 =	ssub.s32 @!p0 $0x0, s1;
	[sflag:s0] =	ssyncset.done @!p0 $0x0  }
0x4b: {  	[sflag:s0] =	ssyncadd.s32 @!p0 s1  }
0x4c: {  	[bflag:$0x3] =	sbarrier.arrive $0xFFFF  }
0x4d: {  	_ =	shalt  }

</sc_bundles>
